<compile_context>
chip_gen: v7x
topology: tpu7x:2x2x1
jax: 0.10.2.dev20260603
libtpu: 0.0.44.dev20260713+nightly
codegen_flags: <defaults>
</compile_context>

<pallas_src>
import functools

import jax
import jax.numpy as jnp
from jax.experimental import pallas as pl

_NUM_CENTROIDS = 512
_RADIUS_LIST = [0.1, 0.2, 0.4]
_NUM_SAMPLES_LIST = [16, 32, 64]
_CPAD = 128
_BLK = 512


def _sq_dist(src, dst):
    d = -2.0 * jnp.matmul(src, jnp.transpose(dst, (0, 2, 1)))
    d = d + jnp.sum(src ** 2, -1)[..., :, None]
    d = d + jnp.sum(dst ** 2, -1)[..., None, :]
    return d


def _index_points(points, idx):
    return jax.vmap(lambda p, i: p[i])(points, idx)


def _fps(xyz, num_centroids):
    B, N, C = xyz.shape
    batch = jnp.arange(B)
    farthest = jax.random.randint(jax.random.key(42), (B,), 0, N)
    distance = jnp.full((B, N), jnp.inf, dtype=xyz.dtype)
    centroid_inds = jnp.zeros((B, num_centroids), dtype=jnp.int32)

    def body(i, state):
        c_inds, dist_state, far = state
        c_inds = c_inds.at[:, i].set(far.astype(jnp.int32))
        centroid = xyz[batch, far, :].reshape(B, 1, C)
        d = jnp.sum((xyz - centroid) ** 2, -1)
        dist_state = jnp.minimum(dist_state, d)
        far = jnp.argmax(dist_state, axis=-1)
        return (c_inds, dist_state, far)

    centroid_inds, _, _ = jax.lax.fori_loop(
        0, num_centroids, body, (centroid_inds, distance, farthest))
    return centroid_inds


def _query_ball(radius, num_samples, xyz, query_xyz):
    B, N, _ = xyz.shape
    S = query_xyz.shape[1]
    group_inds = jnp.broadcast_to(jnp.arange(N, dtype=jnp.int32), (B, S, N))
    sqr_dists = _sq_dist(query_xyz, xyz)
    group_inds = jnp.where(sqr_dists > radius ** 2, N, group_inds)
    group_inds = jnp.sort(group_inds, axis=-1)[:, :, :num_samples]
    group_first = group_inds[:, :, :1]
    group_inds = jnp.where(group_inds == N, group_first, group_inds)
    return group_inds


def _mm_kernel(x_ref, w_ref, b_ref, y_ref, s_ref):
    i = pl.program_id(0)
    y = jnp.dot(x_ref[...], w_ref[...],
                preferred_element_type=jnp.float32) + b_ref[...]
    y_ref[...] = y

    @pl.when(i == 0)
    def _():
        s_ref[...] = jnp.zeros_like(s_ref)

    s_ref[0:1, :] += jnp.sum(y, axis=0, keepdims=True)
    s_ref[1:2, :] += jnp.sum(y * y, axis=0, keepdims=True)


def _mm_fused_kernel(x_ref, sp_ref, g_ref, bt_ref, w_ref, b_ref, y_ref,
                     s_ref, *, count):
    i = pl.program_id(0)
    mean = sp_ref[0:1, :] / count
    var = sp_ref[1:2, :] / count - mean * mean
    x = (x_ref[...] - mean) * jax.lax.rsqrt(var + 1e-5) * g_ref[...] + bt_ref[...]
    x = jnp.maximum(x, 0.0)
    y = jnp.dot(x, w_ref[...], preferred_element_type=jnp.float32) + b_ref[...]
    y_ref[...] = y

    @pl.when(i == 0)
    def _():
        s_ref[...] = jnp.zeros_like(s_ref)

    s_ref[0:1, :] += jnp.sum(y, axis=0, keepdims=True)
    s_ref[1:2, :] += jnp.sum(y * y, axis=0, keepdims=True)


def _bn_kernel(y_ref, s_ref, g_ref, bt_ref, o_ref, *, count, kmax):
    y = y_ref[...]
    mean = s_ref[0:1, :] / count
    var = s_ref[1:2, :] / count - mean * mean
    x = (y - mean) * jax.lax.rsqrt(var + 1e-5) * g_ref[...] + bt_ref[...]
    x = jnp.maximum(x, 0.0)
    if kmax is None:
        o_ref[...] = x
    else:
        o_ref[...] = jnp.max(x.reshape(-1, kmax, _CPAD), axis=1)


def _row_spec(rows):
    return pl.BlockSpec((rows, _CPAD), lambda i: (i, 0))


def _bcast_spec(rows):
    return pl.BlockSpec((rows, _CPAD), lambda i: (0, 0))


def _mlp_chain(x, padded_params, K):
    P = x.shape[0]
    grid = P // _BLK
    mm_outs = [
        jax.ShapeDtypeStruct((P, _CPAD), jnp.float32),
        jax.ShapeDtypeStruct((2, _CPAD), jnp.float32),
    ]
    mm_out_specs = [_row_spec(_BLK), _bcast_spec(2)]
    wt, b, _, _ = padded_params[0]
    y, s = pl.pallas_call(
        _mm_kernel,
        grid=(grid,),
        in_specs=[_row_spec(_BLK), _bcast_spec(_CPAD), _bcast_spec(1)],
        out_specs=mm_out_specs,
        out_shape=mm_outs,
    )(x, wt, b)
    for li in range(1, len(padded_params)):
        wt, b, _, _ = padded_params[li]
        _, _, g_prev, bt_prev = padded_params[li - 1]
        y, s = pl.pallas_call(
            functools.partial(_mm_fused_kernel, count=float(P)),
            grid=(grid,),
            in_specs=[_row_spec(_BLK), _bcast_spec(2), _bcast_spec(1),
                      _bcast_spec(1), _bcast_spec(_CPAD), _bcast_spec(1)],
            out_specs=mm_out_specs,
            out_shape=mm_outs,
        )(y, s, g_prev, bt_prev, wt, b)
    _, _, g, bt = padded_params[-1]
    return pl.pallas_call(
        functools.partial(_bn_kernel, count=float(P), kmax=K),
        grid=(grid,),
        in_specs=[_row_spec(_BLK), _bcast_spec(2), _bcast_spec(1),
                  _bcast_spec(1)],
        out_specs=_row_spec(_BLK // K),
        out_shape=jax.ShapeDtypeStruct((P // K, _CPAD), jnp.float32),
    )(y, s, g, bt)


def _pad_params(params):
    padded = []
    for p in params:
        cout, cin = p["W"].shape
        wt = jnp.zeros((_CPAD, _CPAD), jnp.float32).at[:cin, :cout].set(p["W"].T)
        b = jnp.zeros((1, _CPAD), jnp.float32).at[0, :cout].set(p["b"])
        g = jnp.zeros((1, _CPAD), jnp.float32).at[0, :cout].set(p["gamma"])
        bt = jnp.zeros((1, _CPAD), jnp.float32).at[0, :cout].set(p["beta"])
        padded.append((wt, b, g, bt))
    return padded


def kernel(points_xyz, points_features, params):
    xyz = jnp.transpose(points_xyz, (0, 2, 1))
    feats = jnp.transpose(points_features, (0, 2, 1))
    B, N, _ = xyz.shape
    S = _NUM_CENTROIDS
    xyz_sg = jax.lax.stop_gradient(xyz)
    centroid_inds = _fps(xyz_sg, S)
    centroids_xyz = _index_points(xyz, centroid_inds)
    padded_params = _pad_params(params)
    cin0 = feats.shape[-1] + 3
    outs = []
    for radius, K in zip(_RADIUS_LIST, _NUM_SAMPLES_LIST):
        group_inds = _query_ball(radius, K, xyz_sg,
                                 jax.lax.stop_gradient(centroids_xyz))
        grouped_xyz = _index_points(xyz, group_inds) - centroids_xyz[:, :, None, :]
        grouped_feats = _index_points(feats, group_inds)
        grouped = jnp.concatenate([grouped_feats, grouped_xyz], axis=-1)
        P = B * S * K
        x = jnp.zeros((P, _CPAD), jnp.float32)
        x = x.at[:, :cin0].set(grouped.reshape(P, cin0))
        x = _mlp_chain(x, padded_params, K)
        outs.append(jnp.transpose(x.reshape(B, S, _CPAD), (0, 2, 1)))
    return (jnp.transpose(centroids_xyz, (0, 2, 1)),
            jnp.concatenate(outs, axis=1))

# --- scband reference (transcript-rebuilt; emitter-appended) ---
"""Pipeline reference for scband-point-net-set-abstraction-msg-28638841929936 (READ-ONLY COPY).

The authoritative reference and input builder live on the scoring server;
editing this copy changes nothing except your own understanding.
"""

import jax, jax.numpy as jnp
import numpy as np

NUM_CENTROIDS = 512
RADIUS_LIST = [0.1, 0.2, 0.4]
NUM_SAMPLES_LIST = [16, 32, 64]
CHANNELS = [67, 32, 32, 64, 64, 96, 128]  # in_channels chained across both mlp blocks


def square_distance(src, dst):
    B, N, _ = src.shape
    M = dst.shape[1]
    dist = -2.0 * jnp.matmul(src, jnp.transpose(dst, (0, 2, 1)))
    dist = dist + jnp.sum(src ** 2, -1).reshape(B, N, 1)
    dist = dist + jnp.sum(dst ** 2, -1).reshape(B, 1, M)
    return dist


def index_points(points, idx):
    return jax.vmap(lambda p, i: p[i])(points, idx)


def farthest_point_sample(xyz, num_centroids):
    B, N, C = xyz.shape
    batch = jnp.arange(B)
    farthest = jax.random.randint(jax.random.key(42), (B,), 0, N)
    distance = jnp.full((B, N), jnp.inf, dtype=xyz.dtype)
    centroid_inds = jnp.zeros((B, num_centroids), dtype=jnp.int32)

    def body(i, state):
        c_inds, dist_state, far = state
        c_inds = c_inds.at[:, i].set(far.astype(jnp.int32))
        centroid = xyz[batch, far, :].reshape(B, 1, C)
        d = jnp.sum((xyz - centroid) ** 2, -1)
        dist_state = jnp.minimum(dist_state, d)
        far = jnp.argmax(dist_state, axis=-1)
        return (c_inds, dist_state, far)

    centroid_inds, _, _ = jax.lax.fori_loop(0, num_centroids, body, (centroid_inds, distance, farthest))
    return centroid_inds


def query_ball(radius, num_samples, xyz, query_xyz):
    B, N, C = xyz.shape
    S = query_xyz.shape[1]
    group_inds = jnp.broadcast_to(jnp.arange(N, dtype=jnp.int32), (B, S, N))
    sqr_dists = square_distance(query_xyz, xyz)
    group_inds = jnp.where(sqr_dists > radius ** 2, N, group_inds)
    group_inds = jnp.sort(group_inds, axis=-1)[:, :, :num_samples]
    group_first = group_inds[:, :, :1]
    group_inds = jnp.where(group_inds == N, group_first, group_inds)
    return group_inds


def setup_inputs(seed: int = 0) -> dict:
    key = jax.random.key(seed)
    ks = jax.random.split(key, 2 + len(CHANNELS) - 1)
    points_xyz = jax.random.uniform(ks[0], (8, 3, 4096), dtype=jnp.float32)
    points_features = jax.random.normal(ks[1], (8, 64, 4096), dtype=jnp.float32)
    params = []
    for li in range(len(CHANNELS) - 1):
        cin, cout = CHANNELS[li], CHANNELS[li + 1]
        params.append({
            "W": jax.random.normal(ks[2 + li], (cout, cin), dtype=jnp.float32) * 0.05,
            "b": jnp.zeros((cout,), dtype=jnp.float32),
            "gamma": jnp.ones((cout,), dtype=jnp.float32),
            "beta": jnp.zeros((cout,), dtype=jnp.float32),
        })
    return {"points_xyz": points_xyz, "points_features": points_features, "params": params}


def reference(points_xyz, points_features, params):
    xyz = jnp.transpose(points_xyz, (0, 2, 1))
    feats = jnp.transpose(points_features, (0, 2, 1))
    B, N, C = xyz.shape
    S = NUM_CENTROIDS
    xyz_sg = jax.lax.stop_gradient(xyz)  # FPS / ball query produce int indices (no grad path, as in torch)
    centroid_inds = farthest_point_sample(xyz_sg, S)
    centroids_xyz = index_points(xyz, centroid_inds)
    new_points_list = []
    for i, radius in enumerate(RADIUS_LIST):
        K = NUM_SAMPLES_LIST[i]
        group_inds = query_ball(radius, K, xyz_sg, jax.lax.stop_gradient(centroids_xyz))
        grouped_xyz = index_points(xyz, group_inds) - centroids_xyz.reshape(B, S, 1, C)
        grouped_feats = index_points(feats, group_inds)
        grouped = jnp.concatenate([grouped_feats, grouped_xyz], axis=-1)
        x = jnp.transpose(grouped, (0, 3, 2, 1))  # (B, C_in, K, S)
        for p in params:  # all mlp blocks applied in sequence, as in the torch forward
            x = jnp.einsum('bckn,oc->bokn', x, p["W"]) + p["b"].reshape(1, -1, 1, 1)
            mean = jnp.mean(x, axis=(0, 2, 3), keepdims=True)
            var = jnp.var(x, axis=(0, 2, 3), keepdims=True)
            x = (x - mean) / jnp.sqrt(var + 1e-5)
            x = jax.nn.relu(x * p["gamma"].reshape(1, -1, 1, 1) + p["beta"].reshape(1, -1, 1, 1))
        new_points_list.append(jnp.max(x, axis=2))
    return (jnp.transpose(centroids_xyz, (0, 2, 1)), jnp.concatenate(new_points_list, axis=1))

if __name__ == "__main__":
    import jax
    _d = setup_inputs()
    print(jax.jit(kernel)(*tuple(_d.values())))

</pallas_src>

<mosaic_0001>
module attributes {stable_mosaic.version = 14 : i64} {
  func.func @_mm_kernel(%arg0: i32, %arg1: memref<512x128xf32, #tpu.memory_space<vmem>>, %arg2: memref<128x128xf32, #tpu.memory_space<vmem>>, %arg3: memref<1x128xf32, #tpu.memory_space<vmem>>, %arg4: memref<512x128xf32, #tpu.memory_space<vmem>>, %arg5: memref<2x128xf32, #tpu.memory_space<vmem>>) attributes {dimension_semantics = [#tpu.dimension_semantics<arbitrary>], iteration_bounds = array<i64: 128>, scalar_prefetch = 0 : i64, scratch_operands = 0 : i64, tpu.core_type = #tpu.core_type<tc>, window_params = [{transform_indices = @transform_0, window_bounds = array<i64: 512, 128>}, {pipeline_mode = #tpu.pipeline_mode<synchronous>, transform_indices = @transform_1, window_bounds = array<i64: 128, 128>}, {pipeline_mode = #tpu.pipeline_mode<synchronous>, transform_indices = @transform_2, window_bounds = array<i64: 1, 128>}, {transform_indices = @transform_3, window_bounds = array<i64: 512, 128>}, {pipeline_mode = #tpu.pipeline_mode<synchronous>, transform_indices = @transform_4, window_bounds = array<i64: 2, 128>}]} {
    %get3A = arith.constant 0 : index
    %get3A_0 = arith.constant 0 : index
    %get3A_1 = vector.load %arg1[%get3A, %get3A_0] : memref<512x128xf32, #tpu.memory_space<vmem>>, vector<512x128xf32>
    %get3A_2 = arith.constant 0 : index
    %get3A_3 = arith.constant 0 : index
    %get3A_4 = vector.load %arg2[%get3A_2, %get3A_3] : memref<128x128xf32, #tpu.memory_space<vmem>>, vector<128x128xf32>
    %dot_general3A = arith.constant dense<0.000000e+00> : vector<512x128xf32>
    %dot_general3A_5 = tpu.matmul %get3A_1, %get3A_4, %dot_general3A {dimension_numbers = #tpu.dot_dimension_numbers<[1], [0], [0], [1], [0, 0, 1, 1], [], []>, transpose_lhs_hint = false} : vector<512x128xf32>, vector<128x128xf32>, vector<512x128xf32> -> vector<512x128xf32>
    %get3A_6 = arith.constant 0 : index
    %get3A_7 = arith.constant 0 : index
    %get3A_8 = vector.load %arg3[%get3A_6, %get3A_7] : memref<1x128xf32, #tpu.memory_space<vmem>>, vector<1x128xf32>
    %add3A = vector.broadcast %get3A_8 : vector<1x128xf32> to vector<512x128xf32>
    %add3A_9 = arith.addf %dot_general3A_5, %add3A : vector<512x128xf32>
    %swap3A = arith.constant 0 : index
    %swap3A_10 = arith.constant 0 : index
    %swap3A_11 = vector.load %arg4[%swap3A, %swap3A_10] : memref<512x128xf32, #tpu.memory_space<vmem>>, vector<512x128xf32>
    tpu.vector_store %arg4[%swap3A, %swap3A_10], %add3A_9 {strides = array<i32>} : memref<512x128xf32, #tpu.memory_space<vmem>>, vector<512x128xf32>,
    %eq3A = arith.constant 0 : i32
    %eq3A_12 = arith.cmpi eq, %arg0, %eq3A : i32
    %convert_element_type3A = arith.extui %eq3A_12 : i1 to i32
    %cond3A = arith.constant 0 : i32
    %cond3A_13 = arith.cmpi ne, %convert_element_type3A, %cond3A : i32
    scf.if %cond3A_13 {
      %broadcast_in_dim3A_32 = arith.constant 0.000000e+00 : f32
      %broadcast_in_dim3A_33 = vector.broadcast %broadcast_in_dim3A_32 : f32 to vector<2x128xf32>
      %swap3A_34 = arith.constant 0 : index
      %swap3A_35 = arith.constant 0 : index
      %swap3A_36 = vector.load %arg5[%swap3A_34, %swap3A_35] : memref<2x128xf32, #tpu.memory_space<vmem>>, vector<2x128xf32>
      tpu.vector_store %arg5[%swap3A_34, %swap3A_35], %broadcast_in_dim3A_33 {strides = array<i32>} : memref<2x128xf32, #tpu.memory_space<vmem>>, vector<2x128xf32>,
    } else {
    }
    %get3A_14 = arith.constant 0 : index
    %get3A_15 = arith.constant 0 : index
    %get3A_16 = vector.load %arg5[%get3A_14, %get3A_15] : memref<2x128xf32, #tpu.memory_space<vmem>>, vector<1x128xf32>
    %reduce_sum3A = arith.constant dense<0.000000e+00> : vector<128xf32>
    %reduce_sum3A_17 = vector.multi_reduction <add>, %add3A_9, %reduce_sum3A [0] : vector<512x128xf32> to vector<128xf32>
    %broadcast_in_dim3A = vector.shape_cast %reduce_sum3A_17 : vector<128xf32> to vector<1x128xf32>
    %add3A_18 = arith.addf %get3A_16, %broadcast_in_dim3A : vector<1x128xf32>
    %swap3A_19 = arith.constant 0 : index
    %swap3A_20 = arith.constant 0 : index
    %swap3A_21 = vector.load %arg5[%swap3A_19, %swap3A_20] : memref<2x128xf32, #tpu.memory_space<vmem>>, vector<1x128xf32>
    tpu.vector_store %arg5[%swap3A_19, %swap3A_20], %add3A_18 {strides = array<i32>} : memref<2x128xf32, #tpu.memory_space<vmem>>, vector<1x128xf32>,
    %get3A_22 = arith.constant 1 : index
    %get3A_23 = arith.constant 0 : index
    %get3A_24 = vector.load %arg5[%get3A_22, %get3A_23] : memref<2x128xf32, #tpu.memory_space<vmem>>, vector<1x128xf32>
    %mul3A = arith.mulf %add3A_9, %add3A_9 : vector<512x128xf32>
    %reduce_sum3A_25 = arith.constant dense<0.000000e+00> : vector<128xf32>
    %reduce_sum3A_26 = vector.multi_reduction <add>, %mul3A, %reduce_sum3A_25 [0] : vector<512x128xf32> to vector<128xf32>
    %broadcast_in_dim3A_27 = vector.shape_cast %reduce_sum3A_26 : vector<128xf32> to vector<1x128xf32>
    %add3A_28 = arith.addf %get3A_24, %broadcast_in_dim3A_27 : vector<1x128xf32>
    %swap3A_29 = arith.constant 1 : index
    %swap3A_30 = arith.constant 0 : index
    %swap3A_31 = vector.load %arg5[%swap3A_29, %swap3A_30] : memref<2x128xf32, #tpu.memory_space<vmem>>, vector<1x128xf32>
    tpu.vector_store %arg5[%swap3A_29, %swap3A_30], %add3A_28 {strides = array<i32>} : memref<2x128xf32, #tpu.memory_space<vmem>>, vector<1x128xf32>,
    return
  }
  func.func @transform_0(%arg0: i32) -> (i32, i32) {
    %c0_i32 = arith.constant 0 : i32
    %c0_i32_0 = arith.constant 0 : i32
    return %arg0, %c0_i32 : i32, i32
  }
  func.func @transform_1(%arg0: i32) -> (i32, i32) {
    %c0_i32 = arith.constant 0 : i32
    %c0_i32_0 = arith.constant 0 : i32
    %c0_i32_1 = arith.constant 0 : i32
    return %c0_i32, %c0_i32_0 : i32, i32
  }
  func.func @transform_2(%arg0: i32) -> (i32, i32) {
    %c0_i32 = arith.constant 0 : i32
    %c0_i32_0 = arith.constant 0 : i32
    %c0_i32_1 = arith.constant 0 : i32
    return %c0_i32, %c0_i32_0 : i32, i32
  }
  func.func @transform_3(%arg0: i32) -> (i32, i32) {
    %c0_i32 = arith.constant 0 : i32
    %c0_i32_0 = arith.constant 0 : i32
    return %arg0, %c0_i32 : i32, i32
  }
  func.func @transform_4(%arg0: i32) -> (i32, i32) {
    %c0_i32 = arith.constant 0 : i32
    %c0_i32_0 = arith.constant 0 : i32
    %c0_i32_1 = arith.constant 0 : i32
    return %c0_i32, %c0_i32_0 : i32, i32
  }
}

module attributes {stable_mosaic.version = 14 : i64} {
  func.func @_mm_fused_kernel(%arg0: i32, %arg1: memref<512x128xf32, #tpu.memory_space<vmem>>, %arg2: memref<2x128xf32, #tpu.memory_space<vmem>>, %arg3: memref<1x128xf32, #tpu.memory_space<vmem>>, %arg4: memref<1x128xf32, #tpu.memory_space<vmem>>, %arg5: memref<128x128xf32, #tpu.memory_space<vmem>>, %arg6: memref<1x128xf32, #tpu.memory_space<vmem>>, %arg7: memref<512x128xf32, #tpu.memory_space<vmem>>, %arg8: memref<2x128xf32, #tpu.memory_space<vmem>>) attributes {dimension_semantics = [#tpu.dimension_semantics<arbitrary>], iteration_bounds = array<i64: 128>, scalar_prefetch = 0 : i64, scratch_operands = 0 : i64, tpu.core_type = #tpu.core_type<tc>, window_params = [{transform_indices = @transform_0, window_bounds = array<i64: 512, 128>}, {pipeline_mode = #tpu.pipeline_mode<synchronous>, transform_indices = @transform_1, window_bounds = array<i64: 2, 128>}, {pipeline_mode = #tpu.pipeline_mode<synchronous>, transform_indices = @transform_2, window_bounds = array<i64: 1, 128>}, {pipeline_mode = #tpu.pipeline_mode<synchronous>, transform_indices = @transform_3, window_bounds = array<i64: 1, 128>}, {pipeline_mode = #tpu.pipeline_mode<synchronous>, transform_indices = @transform_4, window_bounds = array<i64: 128, 128>}, {pipeline_mode = #tpu.pipeline_mode<synchronous>, transform_indices = @transform_5, window_bounds = array<i64: 1, 128>}, {transform_indices = @transform_6, window_bounds = array<i64: 512, 128>}, {pipeline_mode = #tpu.pipeline_mode<synchronous>, transform_indices = @transform_7, window_bounds = array<i64: 2, 128>}]} {
    %get3A = arith.constant 0 : index
    %get3A_0 = arith.constant 0 : index
    %get3A_1 = vector.load %arg2[%get3A, %get3A_0] : memref<2x128xf32, #tpu.memory_space<vmem>>, vector<1x128xf32>
    %div3A = arith.constant 6.553600e+04 : f32
    %div3A_2 = vector.broadcast %div3A : f32 to vector<1x128xf32>
    %div3A_3 = arith.divf %get3A_1, %div3A_2 : vector<1x128xf32>
    %get3A_4 = arith.constant 1 : index
    %get3A_5 = arith.constant 0 : index
    %get3A_6 = vector.load %arg2[%get3A_4, %get3A_5] : memref<2x128xf32, #tpu.memory_space<vmem>>, vector<1x128xf32>
    %div3A_7 = arith.constant 6.553600e+04 : f32
    %div3A_8 = vector.broadcast %div3A_7 : f32 to vector<1x128xf32>
    %div3A_9 = arith.divf %get3A_6, %div3A_8 : vector<1x128xf32>
    %mul3A = arith.mulf %div3A_3, %div3A_3 : vector<1x128xf32>
    %sub3A = arith.subf %div3A_9, %mul3A : vector<1x128xf32>
    %get3A_10 = arith.constant 0 : index
    %get3A_11 = arith.constant 0 : index
    %get3A_12 = vector.load %arg1[%get3A_10, %get3A_11] : memref<512x128xf32, #tpu.memory_space<vmem>>, vector<512x128xf32>
    %sub3A_13 = vector.broadcast %div3A_3 : vector<1x128xf32> to vector<512x128xf32>
    %sub3A_14 = arith.subf %get3A_12, %sub3A_13 : vector<512x128xf32>
    %add3A = arith.constant 9.99999974E-6 : f32
    %add3A_15 = vector.broadcast %add3A : f32 to vector<1x128xf32>
    %add3A_16 = arith.addf %sub3A, %add3A_15 : vector<1x128xf32>
    %rsqrt3A = math.rsqrt %add3A_16 : vector<1x128xf32>
    %mul3A_17 = vector.broadcast %rsqrt3A : vector<1x128xf32> to vector<512x128xf32>
    %mul3A_18 = arith.mulf %sub3A_14, %mul3A_17 : vector<512x128xf32>
    %get3A_19 = arith.constant 0 : index
    %get3A_20 = arith.constant 0 : index
    %get3A_21 = vector.load %arg3[%get3A_19, %get3A_20] : memref<1x128xf32, #tpu.memory_space<vmem>>, vector<1x128xf32>
    %mul3A_22 = vector.broadcast %get3A_21 : vector<1x128xf32> to vector<512x128xf32>
    %mul3A_23 = arith.mulf %mul3A_18, %mul3A_22 : vector<512x128xf32>
    %get3A_24 = arith.constant 0 : index
    %get3A_25 = arith.constant 0 : index
    %get3A_26 = vector.load %arg4[%get3A_24, %get3A_25] : memref<1x128xf32, #tpu.memory_space<vmem>>, vector<1x128xf32>
    %add3A_27 = vector.broadcast %get3A_26 : vector<1x128xf32> to vector<512x128xf32>
    %add3A_28 = arith.addf %mul3A_23, %add3A_27 : vector<512x128xf32>
    %max3A = arith.constant 0.000000e+00 : f32
    %max3A_29 = vector.broadcast %max3A : f32 to vector<512x128xf32>
    %max3A_30 = arith.maximumf %add3A_28, %max3A_29 : vector<512x128xf32>
    %get3A_31 = arith.constant 0 : index
    %get3A_32 = arith.constant 0 : index
    %get3A_33 = vector.load %arg5[%get3A_31, %get3A_32] : memref<128x128xf32, #tpu.memory_space<vmem>>, vector<128x128xf32>
    %dot_general3A = arith.constant dense<0.000000e+00> : vector<512x128xf32>
    %dot_general3A_34 = tpu.matmul %max3A_30, %get3A_33, %dot_general3A {dimension_numbers = #tpu.dot_dimension_numbers<[1], [0], [0], [1], [0, 0, 1, 1], [], []>, transpose_lhs_hint = false} : vector<512x128xf32>, vector<128x128xf32>, vector<512x128xf32> -> vector<512x128xf32>
    %get3A_35 = arith.constant 0 : index
    %get3A_36 = arith.constant 0 : index
    %get3A_37 = vector.load %arg6[%get3A_35, %get3A_36] : memref<1x128xf32, #tpu.memory_space<vmem>>, vector<1x128xf32>
    %add3A_38 = vector.broadcast %get3A_37 : vector<1x128xf32> to vector<512x128xf32>
    %add3A_39 = arith.addf %dot_general3A_34, %add3A_38 : vector<512x128xf32>
    %swap3A = arith.constant 0 : index
    %swap3A_40 = arith.constant 0 : index
    %swap3A_41 = vector.load %arg7[%swap3A, %swap3A_40] : memref<512x128xf32, #tpu.memory_space<vmem>>, vector<512x128xf32>
    tpu.vector_store %arg7[%swap3A, %swap3A_40], %add3A_39 {strides = array<i32>} : memref<512x128xf32, #tpu.memory_space<vmem>>, vector<512x128xf32>,
    %eq3A = arith.constant 0 : i32
    %eq3A_42 = arith.cmpi eq, %arg0, %eq3A : i32
    %convert_element_type3A = arith.extui %eq3A_42 : i1 to i32
    %cond3A = arith.constant 0 : i32
    %cond3A_43 = arith.cmpi ne, %convert_element_type3A, %cond3A : i32
    scf.if %cond3A_43 {
      %broadcast_in_dim3A_63 = arith.constant 0.000000e+00 : f32
      %broadcast_in_dim3A_64 = vector.broadcast %broadcast_in_dim3A_63 : f32 to vector<2x128xf32>
      %swap3A_65 = arith.constant 0 : index
      %swap3A_66 = arith.constant 0 : index
      %swap3A_67 = vector.load %arg8[%swap3A_65, %swap3A_66] : memref<2x128xf32, #tpu.memory_space<vmem>>, vector<2x128xf32>
      tpu.vector_store %arg8[%swap3A_65, %swap3A_66], %broadcast_in_dim3A_64 {strides = array<i32>} : memref<2x128xf32, #tpu.memory_space<vmem>>, vector<2x128xf32>,
    } else {
    }
    %get3A_44 = arith.constant 0 : index
    %get3A_45 = arith.constant 0 : index
    %get3A_46 = vector.load %arg8[%get3A_44, %get3A_45] : memref<2x128xf32, #tpu.memory_space<vmem>>, vector<1x128xf32>
    %reduce_sum3A = arith.constant dense<0.000000e+00> : vector<128xf32>
    %reduce_sum3A_47 = vector.multi_reduction <add>, %add3A_39, %reduce_sum3A [0] : vector<512x128xf32> to vector<128xf32>
    %broadcast_in_dim3A = vector.shape_cast %reduce_sum3A_47 : vector<128xf32> to vector<1x128xf32>
    %add3A_48 = arith.addf %get3A_46, %broadcast_in_dim3A : vector<1x128xf32>
    %swap3A_49 = arith.constant 0 : index
    %swap3A_50 = arith.constant 0 : index
    %swap3A_51 = vector.load %arg8[%swap3A_49, %swap3A_50] : memref<2x128xf32, #tpu.memory_space<vmem>>, vector<1x128xf32>
    tpu.vector_store %arg8[%swap3A_49, %swap3A_50], %add3A_48 {strides = array<i32>} : memref<2x128xf32, #tpu.memory_space<vmem>>, vector<1x128xf32>,
    %get3A_52 = arith.constant 1 : index
    %get3A_53 = arith.constant 0 : index
    %get3A_54 = vector.load %arg8[%get3A_52, %get3A_53] : memref<2x128xf32, #tpu.memory_space<vmem>>, vector<1x128xf32>
    %mul3A_55 = arith.mulf %add3A_39, %add3A_39 : vector<512x128xf32>
    %reduce_sum3A_56 = arith.constant dense<0.000000e+00> : vector<128xf32>
    %reduce_sum3A_57 = vector.multi_reduction <add>, %mul3A_55, %reduce_sum3A_56 [0] : vector<512x128xf32> to vector<128xf32>
    %broadcast_in_dim3A_58 = vector.shape_cast %reduce_sum3A_57 : vector<128xf32> to vector<1x128xf32>
    %add3A_59 = arith.addf %get3A_54, %broadcast_in_dim3A_58 : vector<1x128xf32>
    %swap3A_60 = arith.constant 1 : index
    %swap3A_61 = arith.constant 0 : index
    %swap3A_62 = vector.load %arg8[%swap3A_60, %swap3A_61] : memref<2x128xf32, #tpu.memory_space<vmem>>, vector<1x128xf32>
    tpu.vector_store %arg8[%swap3A_60, %swap3A_61], %add3A_59 {strides = array<i32>} : memref<2x128xf32, #tpu.memory_space<vmem>>, vector<1x128xf32>,
    return
  }
  func.func @transform_0(%arg0: i32) -> (i32, i32) {
    %c0_i32 = arith.constant 0 : i32
    %c0_i32_0 = arith.constant 0 : i32
    return %arg0, %c0_i32 : i32, i32
  }
  func.func @transform_1(%arg0: i32) -> (i32, i32) {
    %c0_i32 = arith.constant 0 : i32
    %c0_i32_0 = arith.constant 0 : i32
    %c0_i32_1 = arith.constant 0 : i32
    return %c0_i32, %c0_i32_0 : i32, i32
  }
  func.func @transform_2(%arg0: i32) -> (i32, i32) {
    %c0_i32 = arith.constant 0 : i32
    %c0_i32_0 = arith.constant 0 : i32
    %c0_i32_1 = arith.constant 0 : i32
    return %c0_i32, %c0_i32_0 : i32, i32
  }
  func.func @transform_3(%arg0: i32) -> (i32, i32) {
    %c0_i32 = arith.constant 0 : i32
    %c0_i32_0 = arith.constant 0 : i32
    %c0_i32_1 = arith.constant 0 : i32
    return %c0_i32, %c0_i32_0 : i32, i32
  }
  func.func @transform_4(%arg0: i32) -> (i32, i32) {
    %c0_i32 = arith.constant 0 : i32
    %c0_i32_0 = arith.constant 0 : i32
    %c0_i32_1 = arith.constant 0 : i32
    return %c0_i32, %c0_i32_0 : i32, i32
  }
  func.func @transform_5(%arg0: i32) -> (i32, i32) {
    %c0_i32 = arith.constant 0 : i32
    %c0_i32_0 = arith.constant 0 : i32
    %c0_i32_1 = arith.constant 0 : i32
    return %c0_i32, %c0_i32_0 : i32, i32
  }
  func.func @transform_6(%arg0: i32) -> (i32, i32) {
    %c0_i32 = arith.constant 0 : i32
    %c0_i32_0 = arith.constant 0 : i32
    return %arg0, %c0_i32 : i32, i32
  }
  func.func @transform_7(%arg0: i32) -> (i32, i32) {
    %c0_i32 = arith.constant 0 : i32
    %c0_i32_0 = arith.constant 0 : i32
    %c0_i32_1 = arith.constant 0 : i32
    return %c0_i32, %c0_i32_0 : i32, i32
  }
}

module attributes {stable_mosaic.version = 14 : i64} {
  func.func @_bn_kernel(%arg0: i32, %arg1: memref<512x128xf32, #tpu.memory_space<vmem>>, %arg2: memref<2x128xf32, #tpu.memory_space<vmem>>, %arg3: memref<1x128xf32, #tpu.memory_space<vmem>>, %arg4: memref<1x128xf32, #tpu.memory_space<vmem>>, %arg5: memref<32x128xf32, #tpu.memory_space<vmem>>) attributes {dimension_semantics = [#tpu.dimension_semantics<arbitrary>], iteration_bounds = array<i64: 128>, scalar_prefetch = 0 : i64, scratch_operands = 0 : i64, tpu.core_type = #tpu.core_type<tc>, window_params = [{transform_indices = @transform_0, window_bounds = array<i64: 512, 128>}, {pipeline_mode = #tpu.pipeline_mode<synchronous>, transform_indices = @transform_1, window_bounds = array<i64: 2, 128>}, {pipeline_mode = #tpu.pipeline_mode<synchronous>, transform_indices = @transform_2, window_bounds = array<i64: 1, 128>}, {pipeline_mode = #tpu.pipeline_mode<synchronous>, transform_indices = @transform_3, window_bounds = array<i64: 1, 128>}, {transform_indices = @transform_4, window_bounds = array<i64: 32, 128>}]} {
    %get3A = arith.constant 0 : index
    %get3A_0 = arith.constant 0 : index
    %get3A_1 = vector.load %arg1[%get3A, %get3A_0] : memref<512x128xf32, #tpu.memory_space<vmem>>, vector<512x128xf32>
    %get3A_2 = arith.constant 0 : index
    %get3A_3 = arith.constant 0 : index
    %get3A_4 = vector.load %arg2[%get3A_2, %get3A_3] : memref<2x128xf32, #tpu.memory_space<vmem>>, vector<1x128xf32>
    %div3A = arith.constant 6.553600e+04 : f32
    %div3A_5 = vector.broadcast %div3A : f32 to vector<1x128xf32>
    %div3A_6 = arith.divf %get3A_4, %div3A_5 : vector<1x128xf32>
    %get3A_7 = arith.constant 1 : index
    %get3A_8 = arith.constant 0 : index
    %get3A_9 = vector.load %arg2[%get3A_7, %get3A_8] : memref<2x128xf32, #tpu.memory_space<vmem>>, vector<1x128xf32>
    %div3A_10 = arith.constant 6.553600e+04 : f32
    %div3A_11 = vector.broadcast %div3A_10 : f32 to vector<1x128xf32>
    %div3A_12 = arith.divf %get3A_9, %div3A_11 : vector<1x128xf32>
    %mul3A = arith.mulf %div3A_6, %div3A_6 : vector<1x128xf32>
    %sub3A = arith.subf %div3A_12, %mul3A : vector<1x128xf32>
    %sub3A_13 = vector.broadcast %div3A_6 : vector<1x128xf32> to vector<512x128xf32>
    %sub3A_14 = arith.subf %get3A_1, %sub3A_13 : vector<512x128xf32>
    %add3A = arith.constant 9.99999974E-6 : f32
    %add3A_15 = vector.broadcast %add3A : f32 to vector<1x128xf32>
    %add3A_16 = arith.addf %sub3A, %add3A_15 : vector<1x128xf32>
    %rsqrt3A = math.rsqrt %add3A_16 : vector<1x128xf32>
    %mul3A_17 = vector.broadcast %rsqrt3A : vector<1x128xf32> to vector<512x128xf32>
    %mul3A_18 = arith.mulf %sub3A_14, %mul3A_17 : vector<512x128xf32>
    %get3A_19 = arith.constant 0 : index
    %get3A_20 = arith.constant 0 : index
    %get3A_21 = vector.load %arg3[%get3A_19, %get3A_20] : memref<1x128xf32, #tpu.memory_space<vmem>>, vector<1x128xf32>
    %mul3A_22 = vector.broadcast %get3A_21 : vector<1x128xf32> to vector<512x128xf32>
    %mul3A_23 = arith.mulf %mul3A_18, %mul3A_22 : vector<512x128xf32>
    %get3A_24 = arith.constant 0 : index
    %get3A_25 = arith.constant 0 : index
    %get3A_26 = vector.load %arg4[%get3A_24, %get3A_25] : memref<1x128xf32, #tpu.memory_space<vmem>>, vector<1x128xf32>
    %add3A_27 = vector.broadcast %get3A_26 : vector<1x128xf32> to vector<512x128xf32>
    %add3A_28 = arith.addf %mul3A_23, %add3A_27 : vector<512x128xf32>
    %max3A = arith.constant 0.000000e+00 : f32
    %max3A_29 = vector.broadcast %max3A : f32 to vector<512x128xf32>
    %max3A_30 = arith.maximumf %add3A_28, %max3A_29 : vector<512x128xf32>
    %reshape3A = vector.shape_cast %max3A_30 : vector<512x128xf32> to vector<32x16x128xf32>
    %reduce_max3A = arith.constant dense<0xFF800000> : vector<32x128xf32>
    %reduce_max3A_31 = vector.multi_reduction <maximumf>, %reshape3A, %reduce_max3A [1] : vector<32x16x128xf32> to vector<32x128xf32>
    %swap3A = arith.constant 0 : index
    %swap3A_32 = arith.constant 0 : index
    %swap3A_33 = vector.load %arg5[%swap3A, %swap3A_32] : memref<32x128xf32, #tpu.memory_space<vmem>>, vector<32x128xf32>
    tpu.vector_store %arg5[%swap3A, %swap3A_32], %reduce_max3A_31 {strides = array<i32>} : memref<32x128xf32, #tpu.memory_space<vmem>>, vector<32x128xf32>,
    return
  }
  func.func @transform_0(%arg0: i32) -> (i32, i32) {
    %c0_i32 = arith.constant 0 : i32
    %c0_i32_0 = arith.constant 0 : i32
    return %arg0, %c0_i32 : i32, i32
  }
  func.func @transform_1(%arg0: i32) -> (i32, i32) {
    %c0_i32 = arith.constant 0 : i32
    %c0_i32_0 = arith.constant 0 : i32
    %c0_i32_1 = arith.constant 0 : i32
    return %c0_i32, %c0_i32_0 : i32, i32
  }
  func.func @transform_2(%arg0: i32) -> (i32, i32) {
    %c0_i32 = arith.constant 0 : i32
    %c0_i32_0 = arith.constant 0 : i32
    %c0_i32_1 = arith.constant 0 : i32
    return %c0_i32, %c0_i32_0 : i32, i32
  }
  func.func @transform_3(%arg0: i32) -> (i32, i32) {
    %c0_i32 = arith.constant 0 : i32
    %c0_i32_0 = arith.constant 0 : i32
    %c0_i32_1 = arith.constant 0 : i32
    return %c0_i32, %c0_i32_0 : i32, i32
  }
  func.func @transform_4(%arg0: i32) -> (i32, i32) {
    %c0_i32 = arith.constant 0 : i32
    %c0_i32_0 = arith.constant 0 : i32
    return %arg0, %c0_i32 : i32, i32
  }
}

module attributes {stable_mosaic.version = 14 : i64} {
  func.func @_mm_kernel(%arg0: i32, %arg1: memref<512x128xf32, #tpu.memory_space<vmem>>, %arg2: memref<128x128xf32, #tpu.memory_space<vmem>>, %arg3: memref<1x128xf32, #tpu.memory_space<vmem>>, %arg4: memref<512x128xf32, #tpu.memory_space<vmem>>, %arg5: memref<2x128xf32, #tpu.memory_space<vmem>>) attributes {dimension_semantics = [#tpu.dimension_semantics<arbitrary>], iteration_bounds = array<i64: 256>, scalar_prefetch = 0 : i64, scratch_operands = 0 : i64, tpu.core_type = #tpu.core_type<tc>, window_params = [{transform_indices = @transform_0, window_bounds = array<i64: 512, 128>}, {pipeline_mode = #tpu.pipeline_mode<synchronous>, transform_indices = @transform_1, window_bounds = array<i64: 128, 128>}, {pipeline_mode = #tpu.pipeline_mode<synchronous>, transform_indices = @transform_2, window_bounds = array<i64: 1, 128>}, {transform_indices = @transform_3, window_bounds = array<i64: 512, 128>}, {pipeline_mode = #tpu.pipeline_mode<synchronous>, transform_indices = @transform_4, window_bounds = array<i64: 2, 128>}]} {
    %get3A = arith.constant 0 : index
    %get3A_0 = arith.constant 0 : index
    %get3A_1 = vector.load %arg1[%get3A, %get3A_0] : memref<512x128xf32, #tpu.memory_space<vmem>>, vector<512x128xf32>
    %get3A_2 = arith.constant 0 : index
    %get3A_3 = arith.constant 0 : index
    %get3A_4 = vector.load %arg2[%get3A_2, %get3A_3] : memref<128x128xf32, #tpu.memory_space<vmem>>, vector<128x128xf32>
    %dot_general3A = arith.constant dense<0.000000e+00> : vector<512x128xf32>
    %dot_general3A_5 = tpu.matmul %get3A_1, %get3A_4, %dot_general3A {dimension_numbers = #tpu.dot_dimension_numbers<[1], [0], [0], [1], [0, 0, 1, 1], [], []>, transpose_lhs_hint = false} : vector<512x128xf32>, vector<128x128xf32>, vector<512x128xf32> -> vector<512x128xf32>
    %get3A_6 = arith.constant 0 : index
    %get3A_7 = arith.constant 0 : index
    %get3A_8 = vector.load %arg3[%get3A_6, %get3A_7] : memref<1x128xf32, #tpu.memory_space<vmem>>, vector<1x128xf32>
    %add3A = vector.broadcast %get3A_8 : vector<1x128xf32> to vector<512x128xf32>
    %add3A_9 = arith.addf %dot_general3A_5, %add3A : vector<512x128xf32>
    %swap3A = arith.constant 0 : index
    %swap3A_10 = arith.constant 0 : index
    %swap3A_11 = vector.load %arg4[%swap3A, %swap3A_10] : memref<512x128xf32, #tpu.memory_space<vmem>>, vector<512x128xf32>
    tpu.vector_store %arg4[%swap3A, %swap3A_10], %add3A_9 {strides = array<i32>} : memref<512x128xf32, #tpu.memory_space<vmem>>, vector<512x128xf32>,
    %eq3A = arith.constant 0 : i32
    %eq3A_12 = arith.cmpi eq, %arg0, %eq3A : i32
    %convert_element_type3A = arith.extui %eq3A_12 : i1 to i32
    %cond3A = arith.constant 0 : i32
    %cond3A_13 = arith.cmpi ne, %convert_element_type3A, %cond3A : i32
    scf.if %cond3A_13 {
      %broadcast_in_dim3A_32 = arith.constant 0.000000e+00 : f32
      %broadcast_in_dim3A_33 = vector.broadcast %broadcast_in_dim3A_32 : f32 to vector<2x128xf32>
      %swap3A_34 = arith.constant 0 : index
      %swap3A_35 = arith.constant 0 : index
      %swap3A_36 = vector.load %arg5[%swap3A_34, %swap3A_35] : memref<2x128xf32, #tpu.memory_space<vmem>>, vector<2x128xf32>
      tpu.vector_store %arg5[%swap3A_34, %swap3A_35], %broadcast_in_dim3A_33 {strides = array<i32>} : memref<2x128xf32, #tpu.memory_space<vmem>>, vector<2x128xf32>,
    } else {
    }
    %get3A_14 = arith.constant 0 : index
    %get3A_15 = arith.constant 0 : index
    %get3A_16 = vector.load %arg5[%get3A_14, %get3A_15] : memref<2x128xf32, #tpu.memory_space<vmem>>, vector<1x128xf32>
    %reduce_sum3A = arith.constant dense<0.000000e+00> : vector<128xf32>
    %reduce_sum3A_17 = vector.multi_reduction <add>, %add3A_9, %reduce_sum3A [0] : vector<512x128xf32> to vector<128xf32>
    %broadcast_in_dim3A = vector.shape_cast %reduce_sum3A_17 : vector<128xf32> to vector<1x128xf32>
    %add3A_18 = arith.addf %get3A_16, %broadcast_in_dim3A : vector<1x128xf32>
    %swap3A_19 = arith.constant 0 : index
    %swap3A_20 = arith.constant 0 : index
    %swap3A_21 = vector.load %arg5[%swap3A_19, %swap3A_20] : memref<2x128xf32, #tpu.memory_space<vmem>>, vector<1x128xf32>
    tpu.vector_store %arg5[%swap3A_19, %swap3A_20], %add3A_18 {strides = array<i32>} : memref<2x128xf32, #tpu.memory_space<vmem>>, vector<1x128xf32>,
    %get3A_22 = arith.constant 1 : index
    %get3A_23 = arith.constant 0 : index
    %get3A_24 = vector.load %arg5[%get3A_22, %get3A_23] : memref<2x128xf32, #tpu.memory_space<vmem>>, vector<1x128xf32>
    %mul3A = arith.mulf %add3A_9, %add3A_9 : vector<512x128xf32>
    %reduce_sum3A_25 = arith.constant dense<0.000000e+00> : vector<128xf32>
    %reduce_sum3A_26 = vector.multi_reduction <add>, %mul3A, %reduce_sum3A_25 [0] : vector<512x128xf32> to vector<128xf32>
    %broadcast_in_dim3A_27 = vector.shape_cast %reduce_sum3A_26 : vector<128xf32> to vector<1x128xf32>
    %add3A_28 = arith.addf %get3A_24, %broadcast_in_dim3A_27 : vector<1x128xf32>
    %swap3A_29 = arith.constant 1 : index
    %swap3A_30 = arith.constant 0 : index
    %swap3A_31 = vector.load %arg5[%swap3A_29, %swap3A_30] : memref<2x128xf32, #tpu.memory_space<vmem>>, vector<1x128xf32>
    tpu.vector_store %arg5[%swap3A_29, %swap3A_30], %add3A_28 {strides = array<i32>} : memref<2x128xf32, #tpu.memory_space<vmem>>, vector<1x128xf32>,
    return
  }
  func.func @transform_0(%arg0: i32) -> (i32, i32) {
    %c0_i32 = arith.constant 0 : i32
    %c0_i32_0 = arith.constant 0 : i32
    return %arg0, %c0_i32 : i32, i32
  }
  func.func @transform_1(%arg0: i32) -> (i32, i32) {
    %c0_i32 = arith.constant 0 : i32
    %c0_i32_0 = arith.constant 0 : i32
    %c0_i32_1 = arith.constant 0 : i32
    return %c0_i32, %c0_i32_0 : i32, i32
  }
  func.func @transform_2(%arg0: i32) -> (i32, i32) {
    %c0_i32 = arith.constant 0 : i32
    %c0_i32_0 = arith.constant 0 : i32
    %c0_i32_1 = arith.constant 0 : i32
    return %c0_i32, %c0_i32_0 : i32, i32
  }
  func.func @transform_3(%arg0: i32) -> (i32, i32) {
    %c0_i32 = arith.constant 0 : i32
    %c0_i32_0 = arith.constant 0 : i32
    return %arg0, %c0_i32 : i32, i32
  }
  func.func @transform_4(%arg0: i32) -> (i32, i32) {
    %c0_i32 = arith.constant 0 : i32
    %c0_i32_0 = arith.constant 0 : i32
    %c0_i32_1 = arith.constant 0 : i32
    return %c0_i32, %c0_i32_0 : i32, i32
  }
}

module attributes {stable_mosaic.version = 14 : i64} {
  func.func @_mm_fused_kernel(%arg0: i32, %arg1: memref<512x128xf32, #tpu.memory_space<vmem>>, %arg2: memref<2x128xf32, #tpu.memory_space<vmem>>, %arg3: memref<1x128xf32, #tpu.memory_space<vmem>>, %arg4: memref<1x128xf32, #tpu.memory_space<vmem>>, %arg5: memref<128x128xf32, #tpu.memory_space<vmem>>, %arg6: memref<1x128xf32, #tpu.memory_space<vmem>>, %arg7: memref<512x128xf32, #tpu.memory_space<vmem>>, %arg8: memref<2x128xf32, #tpu.memory_space<vmem>>) attributes {dimension_semantics = [#tpu.dimension_semantics<arbitrary>], iteration_bounds = array<i64: 256>, scalar_prefetch = 0 : i64, scratch_operands = 0 : i64, tpu.core_type = #tpu.core_type<tc>, window_params = [{transform_indices = @transform_0, window_bounds = array<i64: 512, 128>}, {pipeline_mode = #tpu.pipeline_mode<synchronous>, transform_indices = @transform_1, window_bounds = array<i64: 2, 128>}, {pipeline_mode = #tpu.pipeline_mode<synchronous>, transform_indices = @transform_2, window_bounds = array<i64: 1, 128>}, {pipeline_mode = #tpu.pipeline_mode<synchronous>, transform_indices = @transform_3, window_bounds = array<i64: 1, 128>}, {pipeline_mode = #tpu.pipeline_mode<synchronous>, transform_indices = @transform_4, window_bounds = array<i64: 128, 128>}, {pipeline_mode = #tpu.pipeline_mode<synchronous>, transform_indices = @transform_5, window_bounds = array<i64: 1, 128>}, {transform_indices = @transform_6, window_bounds = array<i64: 512, 128>}, {pipeline_mode = #tpu.pipeline_mode<synchronous>, transform_indices = @transform_7, window_bounds = array<i64: 2, 128>}]} {
    %get3A = arith.constant 0 : index
    %get3A_0 = arith.constant 0 : index
    %get3A_1 = vector.load %arg2[%get3A, %get3A_0] : memref<2x128xf32, #tpu.memory_space<vmem>>, vector<1x128xf32>
    %div3A = arith.constant 1.310720e+05 : f32
    %div3A_2 = vector.broadcast %div3A : f32 to vector<1x128xf32>
    %div3A_3 = arith.divf %get3A_1, %div3A_2 : vector<1x128xf32>
    %get3A_4 = arith.constant 1 : index
    %get3A_5 = arith.constant 0 : index
    %get3A_6 = vector.load %arg2[%get3A_4, %get3A_5] : memref<2x128xf32, #tpu.memory_space<vmem>>, vector<1x128xf32>
    %div3A_7 = arith.constant 1.310720e+05 : f32
    %div3A_8 = vector.broadcast %div3A_7 : f32 to vector<1x128xf32>
    %div3A_9 = arith.divf %get3A_6, %div3A_8 : vector<1x128xf32>
    %mul3A = arith.mulf %div3A_3, %div3A_3 : vector<1x128xf32>
    %sub3A = arith.subf %div3A_9, %mul3A : vector<1x128xf32>
    %get3A_10 = arith.constant 0 : index
    %get3A_11 = arith.constant 0 : index
    %get3A_12 = vector.load %arg1[%get3A_10, %get3A_11] : memref<512x128xf32, #tpu.memory_space<vmem>>, vector<512x128xf32>
    %sub3A_13 = vector.broadcast %div3A_3 : vector<1x128xf32> to vector<512x128xf32>
    %sub3A_14 = arith.subf %get3A_12, %sub3A_13 : vector<512x128xf32>
    %add3A = arith.constant 9.99999974E-6 : f32
    %add3A_15 = vector.broadcast %add3A : f32 to vector<1x128xf32>
    %add3A_16 = arith.addf %sub3A, %add3A_15 : vector<1x128xf32>
    %rsqrt3A = math.rsqrt %add3A_16 : vector<1x128xf32>
    %mul3A_17 = vector.broadcast %rsqrt3A : vector<1x128xf32> to vector<512x128xf32>
    %mul3A_18 = arith.mulf %sub3A_14, %mul3A_17 : vector<512x128xf32>
    %get3A_19 = arith.constant 0 : index
    %get3A_20 = arith.constant 0 : index
    %get3A_21 = vector.load %arg3[%get3A_19, %get3A_20] : memref<1x128xf32, #tpu.memory_space<vmem>>, vector<1x128xf32>
    %mul3A_22 = vector.broadcast %get3A_21 : vector<1x128xf32> to vector<512x128xf32>
    %mul3A_23 = arith.mulf %mul3A_18, %mul3A_22 : vector<512x128xf32>
    %get3A_24 = arith.constant 0 : index
    %get3A_25 = arith.constant 0 : index
    %get3A_26 = vector.load %arg4[%get3A_24, %get3A_25] : memref<1x128xf32, #tpu.memory_space<vmem>>, vector<1x128xf32>
    %add3A_27 = vector.broadcast %get3A_26 : vector<1x128xf32> to vector<512x128xf32>
    %add3A_28 = arith.addf %mul3A_23, %add3A_27 : vector<512x128xf32>
    %max3A = arith.constant 0.000000e+00 : f32
    %max3A_29 = vector.broadcast %max3A : f32 to vector<512x128xf32>
    %max3A_30 = arith.maximumf %add3A_28, %max3A_29 : vector<512x128xf32>
    %get3A_31 = arith.constant 0 : index
    %get3A_32 = arith.constant 0 : index
    %get3A_33 = vector.load %arg5[%get3A_31, %get3A_32] : memref<128x128xf32, #tpu.memory_space<vmem>>, vector<128x128xf32>
    %dot_general3A = arith.constant dense<0.000000e+00> : vector<512x128xf32>
    %dot_general3A_34 = tpu.matmul %max3A_30, %get3A_33, %dot_general3A {dimension_numbers = #tpu.dot_dimension_numbers<[1], [0], [0], [1], [0, 0, 1, 1], [], []>, transpose_lhs_hint = false} : vector<512x128xf32>, vector<128x128xf32>, vector<512x128xf32> -> vector<512x128xf32>
    %get3A_35 = arith.constant 0 : index
    %get3A_36 = arith.constant 0 : index
    %get3A_37 = vector.load %arg6[%get3A_35, %get3A_36] : memref<1x128xf32, #tpu.memory_space<vmem>>, vector<1x128xf32>
    %add3A_38 = vector.broadcast %get3A_37 : vector<1x128xf32> to vector<512x128xf32>
    %add3A_39 = arith.addf %dot_general3A_34, %add3A_38 : vector<512x128xf32>
    %swap3A = arith.constant 0 : index
    %swap3A_40 = arith.constant 0 : index
    %swap3A_41 = vector.load %arg7[%swap3A, %swap3A_40] : memref<512x128xf32, #tpu.memory_space<vmem>>, vector<512x128xf32>
    tpu.vector_store %arg7[%swap3A, %swap3A_40], %add3A_39 {strides = array<i32>} : memref<512x128xf32, #tpu.memory_space<vmem>>, vector<512x128xf32>,
    %eq3A = arith.constant 0 : i32
    %eq3A_42 = arith.cmpi eq, %arg0, %eq3A : i32
    %convert_element_type3A = arith.extui %eq3A_42 : i1 to i32
    %cond3A = arith.constant 0 : i32
    %cond3A_43 = arith.cmpi ne, %convert_element_type3A, %cond3A : i32
    scf.if %cond3A_43 {
      %broadcast_in_dim3A_63 = arith.constant 0.000000e+00 : f32
      %broadcast_in_dim3A_64 = vector.broadcast %broadcast_in_dim3A_63 : f32 to vector<2x128xf32>
      %swap3A_65 = arith.constant 0 : index
      %swap3A_66 = arith.constant 0 : index
      %swap3A_67 = vector.load %arg8[%swap3A_65, %swap3A_66] : memref<2x128xf32, #tpu.memory_space<vmem>>, vector<2x128xf32>
      tpu.vector_store %arg8[%swap3A_65, %swap3A_66], %broadcast_in_dim3A_64 {strides = array<i32>} : memref<2x128xf32, #tpu.memory_space<vmem>>, vector<2x128xf32>,
    } else {
    }
    %get3A_44 = arith.constant 0 : index
    %get3A_45 = arith.constant 0 : index
    %get3A_46 = vector.load %arg8[%get3A_44, %get3A_45] : memref<2x128xf32, #tpu.memory_space<vmem>>, vector<1x128xf32>
    %reduce_sum3A = arith.constant dense<0.000000e+00> : vector<128xf32>
    %reduce_sum3A_47 = vector.multi_reduction <add>, %add3A_39, %reduce_sum3A [0] : vector<512x128xf32> to vector<128xf32>
    %broadcast_in_dim3A = vector.shape_cast %reduce_sum3A_47 : vector<128xf32> to vector<1x128xf32>
    %add3A_48 = arith.addf %get3A_46, %broadcast_in_dim3A : vector<1x128xf32>
    %swap3A_49 = arith.constant 0 : index
    %swap3A_50 = arith.constant 0 : index
    %swap3A_51 = vector.load %arg8[%swap3A_49, %swap3A_50] : memref<2x128xf32, #tpu.memory_space<vmem>>, vector<1x128xf32>
    tpu.vector_store %arg8[%swap3A_49, %swap3A_50], %add3A_48 {strides = array<i32>} : memref<2x128xf32, #tpu.memory_space<vmem>>, vector<1x128xf32>,
    %get3A_52 = arith.constant 1 : index
    %get3A_53 = arith.constant 0 : index
    %get3A_54 = vector.load %arg8[%get3A_52, %get3A_53] : memref<2x128xf32, #tpu.memory_space<vmem>>, vector<1x128xf32>
    %mul3A_55 = arith.mulf %add3A_39, %add3A_39 : vector<512x128xf32>
    %reduce_sum3A_56 = arith.constant dense<0.000000e+00> : vector<128xf32>
    %reduce_sum3A_57 = vector.multi_reduction <add>, %mul3A_55, %reduce_sum3A_56 [0] : vector<512x128xf32> to vector<128xf32>
    %broadcast_in_dim3A_58 = vector.shape_cast %reduce_sum3A_57 : vector<128xf32> to vector<1x128xf32>
    %add3A_59 = arith.addf %get3A_54, %broadcast_in_dim3A_58 : vector<1x128xf32>
    %swap3A_60 = arith.constant 1 : index
    %swap3A_61 = arith.constant 0 : index
    %swap3A_62 = vector.load %arg8[%swap3A_60, %swap3A_61] : memref<2x128xf32, #tpu.memory_space<vmem>>, vector<1x128xf32>
    tpu.vector_store %arg8[%swap3A_60, %swap3A_61], %add3A_59 {strides = array<i32>} : memref<2x128xf32, #tpu.memory_space<vmem>>, vector<1x128xf32>,
    return
  }
  func.func @transform_0(%arg0: i32) -> (i32, i32) {
    %c0_i32 = arith.constant 0 : i32
    %c0_i32_0 = arith.constant 0 : i32
    return %arg0, %c0_i32 : i32, i32
  }
  func.func @transform_1(%arg0: i32) -> (i32, i32) {
    %c0_i32 = arith.constant 0 : i32
    %c0_i32_0 = arith.constant 0 : i32
    %c0_i32_1 = arith.constant 0 : i32
    return %c0_i32, %c0_i32_0 : i32, i32
  }
  func.func @transform_2(%arg0: i32) -> (i32, i32) {
    %c0_i32 = arith.constant 0 : i32
    %c0_i32_0 = arith.constant 0 : i32
    %c0_i32_1 = arith.constant 0 : i32
    return %c0_i32, %c0_i32_0 : i32, i32
  }
  func.func @transform_3(%arg0: i32) -> (i32, i32) {
    %c0_i32 = arith.constant 0 : i32
    %c0_i32_0 = arith.constant 0 : i32
    %c0_i32_1 = arith.constant 0 : i32
    return %c0_i32, %c0_i32_0 : i32, i32
  }
  func.func @transform_4(%arg0: i32) -> (i32, i32) {
    %c0_i32 = arith.constant 0 : i32
    %c0_i32_0 = arith.constant 0 : i32
    %c0_i32_1 = arith.constant 0 : i32
    return %c0_i32, %c0_i32_0 : i32, i32
  }
  func.func @transform_5(%arg0: i32) -> (i32, i32) {
    %c0_i32 = arith.constant 0 : i32
    %c0_i32_0 = arith.constant 0 : i32
    %c0_i32_1 = arith.constant 0 : i32
    return %c0_i32, %c0_i32_0 : i32, i32
  }
  func.func @transform_6(%arg0: i32) -> (i32, i32) {
    %c0_i32 = arith.constant 0 : i32
    %c0_i32_0 = arith.constant 0 : i32
    return %arg0, %c0_i32 : i32, i32
  }
  func.func @transform_7(%arg0: i32) -> (i32, i32) {
    %c0_i32 = arith.constant 0 : i32
    %c0_i32_0 = arith.constant 0 : i32
    %c0_i32_1 = arith.constant 0 : i32
    return %c0_i32, %c0_i32_0 : i32, i32
  }
}

module attributes {stable_mosaic.version = 14 : i64} {
  func.func @_bn_kernel(%arg0: i32, %arg1: memref<512x128xf32, #tpu.memory_space<vmem>>, %arg2: memref<2x128xf32, #tpu.memory_space<vmem>>, %arg3: memref<1x128xf32, #tpu.memory_space<vmem>>, %arg4: memref<1x128xf32, #tpu.memory_space<vmem>>, %arg5: memref<16x128xf32, #tpu.memory_space<vmem>>) attributes {dimension_semantics = [#tpu.dimension_semantics<arbitrary>], iteration_bounds = array<i64: 256>, scalar_prefetch = 0 : i64, scratch_operands = 0 : i64, tpu.core_type = #tpu.core_type<tc>, window_params = [{transform_indices = @transform_0, window_bounds = array<i64: 512, 128>}, {pipeline_mode = #tpu.pipeline_mode<synchronous>, transform_indices = @transform_1, window_bounds = array<i64: 2, 128>}, {pipeline_mode = #tpu.pipeline_mode<synchronous>, transform_indices = @transform_2, window_bounds = array<i64: 1, 128>}, {pipeline_mode = #tpu.pipeline_mode<synchronous>, transform_indices = @transform_3, window_bounds = array<i64: 1, 128>}, {transform_indices = @transform_4, window_bounds = array<i64: 16, 128>}]} {
    %get3A = arith.constant 0 : index
    %get3A_0 = arith.constant 0 : index
    %get3A_1 = vector.load %arg1[%get3A, %get3A_0] : memref<512x128xf32, #tpu.memory_space<vmem>>, vector<512x128xf32>
    %get3A_2 = arith.constant 0 : index
    %get3A_3 = arith.constant 0 : index
    %get3A_4 = vector.load %arg2[%get3A_2, %get3A_3] : memref<2x128xf32, #tpu.memory_space<vmem>>, vector<1x128xf32>
    %div3A = arith.constant 1.310720e+05 : f32
    %div3A_5 = vector.broadcast %div3A : f32 to vector<1x128xf32>
    %div3A_6 = arith.divf %get3A_4, %div3A_5 : vector<1x128xf32>
    %get3A_7 = arith.constant 1 : index
    %get3A_8 = arith.constant 0 : index
    %get3A_9 = vector.load %arg2[%get3A_7, %get3A_8] : memref<2x128xf32, #tpu.memory_space<vmem>>, vector<1x128xf32>
    %div3A_10 = arith.constant 1.310720e+05 : f32
    %div3A_11 = vector.broadcast %div3A_10 : f32 to vector<1x128xf32>
    %div3A_12 = arith.divf %get3A_9, %div3A_11 : vector<1x128xf32>
    %mul3A = arith.mulf %div3A_6, %div3A_6 : vector<1x128xf32>
    %sub3A = arith.subf %div3A_12, %mul3A : vector<1x128xf32>
    %sub3A_13 = vector.broadcast %div3A_6 : vector<1x128xf32> to vector<512x128xf32>
    %sub3A_14 = arith.subf %get3A_1, %sub3A_13 : vector<512x128xf32>
    %add3A = arith.constant 9.99999974E-6 : f32
    %add3A_15 = vector.broadcast %add3A : f32 to vector<1x128xf32>
    %add3A_16 = arith.addf %sub3A, %add3A_15 : vector<1x128xf32>
    %rsqrt3A = math.rsqrt %add3A_16 : vector<1x128xf32>
    %mul3A_17 = vector.broadcast %rsqrt3A : vector<1x128xf32> to vector<512x128xf32>
    %mul3A_18 = arith.mulf %sub3A_14, %mul3A_17 : vector<512x128xf32>
    %get3A_19 = arith.constant 0 : index
    %get3A_20 = arith.constant 0 : index
    %get3A_21 = vector.load %arg3[%get3A_19, %get3A_20] : memref<1x128xf32, #tpu.memory_space<vmem>>, vector<1x128xf32>
    %mul3A_22 = vector.broadcast %get3A_21 : vector<1x128xf32> to vector<512x128xf32>
    %mul3A_23 = arith.mulf %mul3A_18, %mul3A_22 : vector<512x128xf32>
    %get3A_24 = arith.constant 0 : index
    %get3A_25 = arith.constant 0 : index
    %get3A_26 = vector.load %arg4[%get3A_24, %get3A_25] : memref<1x128xf32, #tpu.memory_space<vmem>>, vector<1x128xf32>
    %add3A_27 = vector.broadcast %get3A_26 : vector<1x128xf32> to vector<512x128xf32>
    %add3A_28 = arith.addf %mul3A_23, %add3A_27 : vector<512x128xf32>
    %max3A = arith.constant 0.000000e+00 : f32
    %max3A_29 = vector.broadcast %max3A : f32 to vector<512x128xf32>
    %max3A_30 = arith.maximumf %add3A_28, %max3A_29 : vector<512x128xf32>
    %reshape3A = vector.shape_cast %max3A_30 : vector<512x128xf32> to vector<16x32x128xf32>
    %reduce_max3A = arith.constant dense<0xFF800000> : vector<16x128xf32>
    %reduce_max3A_31 = vector.multi_reduction <maximumf>, %reshape3A, %reduce_max3A [1] : vector<16x32x128xf32> to vector<16x128xf32>
    %swap3A = arith.constant 0 : index
    %swap3A_32 = arith.constant 0 : index
    %swap3A_33 = vector.load %arg5[%swap3A, %swap3A_32] : memref<16x128xf32, #tpu.memory_space<vmem>>, vector<16x128xf32>
    tpu.vector_store %arg5[%swap3A, %swap3A_32], %reduce_max3A_31 {strides = array<i32>} : memref<16x128xf32, #tpu.memory_space<vmem>>, vector<16x128xf32>,
    return
  }
  func.func @transform_0(%arg0: i32) -> (i32, i32) {
    %c0_i32 = arith.constant 0 : i32
    %c0_i32_0 = arith.constant 0 : i32
    return %arg0, %c0_i32 : i32, i32
  }
  func.func @transform_1(%arg0: i32) -> (i32, i32) {
    %c0_i32 = arith.constant 0 : i32
    %c0_i32_0 = arith.constant 0 : i32
    %c0_i32_1 = arith.constant 0 : i32
    return %c0_i32, %c0_i32_0 : i32, i32
  }
  func.func @transform_2(%arg0: i32) -> (i32, i32) {
    %c0_i32 = arith.constant 0 : i32
    %c0_i32_0 = arith.constant 0 : i32
    %c0_i32_1 = arith.constant 0 : i32
    return %c0_i32, %c0_i32_0 : i32, i32
  }
  func.func @transform_3(%arg0: i32) -> (i32, i32) {
    %c0_i32 = arith.constant 0 : i32
    %c0_i32_0 = arith.constant 0 : i32
    %c0_i32_1 = arith.constant 0 : i32
    return %c0_i32, %c0_i32_0 : i32, i32
  }
  func.func @transform_4(%arg0: i32) -> (i32, i32) {
    %c0_i32 = arith.constant 0 : i32
    %c0_i32_0 = arith.constant 0 : i32
    return %arg0, %c0_i32 : i32, i32
  }
}

module attributes {stable_mosaic.version = 14 : i64} {
  func.func @_mm_kernel(%arg0: i32, %arg1: memref<512x128xf32, #tpu.memory_space<vmem>>, %arg2: memref<128x128xf32, #tpu.memory_space<vmem>>, %arg3: memref<1x128xf32, #tpu.memory_space<vmem>>, %arg4: memref<512x128xf32, #tpu.memory_space<vmem>>, %arg5: memref<2x128xf32, #tpu.memory_space<vmem>>) attributes {dimension_semantics = [#tpu.dimension_semantics<arbitrary>], iteration_bounds = array<i64: 512>, scalar_prefetch = 0 : i64, scratch_operands = 0 : i64, tpu.core_type = #tpu.core_type<tc>, window_params = [{transform_indices = @transform_0, window_bounds = array<i64: 512, 128>}, {pipeline_mode = #tpu.pipeline_mode<synchronous>, transform_indices = @transform_1, window_bounds = array<i64: 128, 128>}, {pipeline_mode = #tpu.pipeline_mode<synchronous>, transform_indices = @transform_2, window_bounds = array<i64: 1, 128>}, {transform_indices = @transform_3, window_bounds = array<i64: 512, 128>}, {pipeline_mode = #tpu.pipeline_mode<synchronous>, transform_indices = @transform_4, window_bounds = array<i64: 2, 128>}]} {
    %get3A = arith.constant 0 : index
    %get3A_0 = arith.constant 0 : index
    %get3A_1 = vector.load %arg1[%get3A, %get3A_0] : memref<512x128xf32, #tpu.memory_space<vmem>>, vector<512x128xf32>
    %get3A_2 = arith.constant 0 : index
    %get3A_3 = arith.constant 0 : index
    %get3A_4 = vector.load %arg2[%get3A_2, %get3A_3] : memref<128x128xf32, #tpu.memory_space<vmem>>, vector<128x128xf32>
    %dot_general3A = arith.constant dense<0.000000e+00> : vector<512x128xf32>
    %dot_general3A_5 = tpu.matmul %get3A_1, %get3A_4, %dot_general3A {dimension_numbers = #tpu.dot_dimension_numbers<[1], [0], [0], [1], [0, 0, 1, 1], [], []>, transpose_lhs_hint = false} : vector<512x128xf32>, vector<128x128xf32>, vector<512x128xf32> -> vector<512x128xf32>
    %get3A_6 = arith.constant 0 : index
    %get3A_7 = arith.constant 0 : index
    %get3A_8 = vector.load %arg3[%get3A_6, %get3A_7] : memref<1x128xf32, #tpu.memory_space<vmem>>, vector<1x128xf32>
    %add3A = vector.broadcast %get3A_8 : vector<1x128xf32> to vector<512x128xf32>
    %add3A_9 = arith.addf %dot_general3A_5, %add3A : vector<512x128xf32>
    %swap3A = arith.constant 0 : index
    %swap3A_10 = arith.constant 0 : index
    %swap3A_11 = vector.load %arg4[%swap3A, %swap3A_10] : memref<512x128xf32, #tpu.memory_space<vmem>>, vector<512x128xf32>
    tpu.vector_store %arg4[%swap3A, %swap3A_10], %add3A_9 {strides = array<i32>} : memref<512x128xf32, #tpu.memory_space<vmem>>, vector<512x128xf32>,
    %eq3A = arith.constant 0 : i32
    %eq3A_12 = arith.cmpi eq, %arg0, %eq3A : i32
    %convert_element_type3A = arith.extui %eq3A_12 : i1 to i32
    %cond3A = arith.constant 0 : i32
    %cond3A_13 = arith.cmpi ne, %convert_element_type3A, %cond3A : i32
    scf.if %cond3A_13 {
      %broadcast_in_dim3A_32 = arith.constant 0.000000e+00 : f32
      %broadcast_in_dim3A_33 = vector.broadcast %broadcast_in_dim3A_32 : f32 to vector<2x128xf32>
      %swap3A_34 = arith.constant 0 : index
      %swap3A_35 = arith.constant 0 : index
      %swap3A_36 = vector.load %arg5[%swap3A_34, %swap3A_35] : memref<2x128xf32, #tpu.memory_space<vmem>>, vector<2x128xf32>
      tpu.vector_store %arg5[%swap3A_34, %swap3A_35], %broadcast_in_dim3A_33 {strides = array<i32>} : memref<2x128xf32, #tpu.memory_space<vmem>>, vector<2x128xf32>,
    } else {
    }
    %get3A_14 = arith.constant 0 : index
    %get3A_15 = arith.constant 0 : index
    %get3A_16 = vector.load %arg5[%get3A_14, %get3A_15] : memref<2x128xf32, #tpu.memory_space<vmem>>, vector<1x128xf32>
    %reduce_sum3A = arith.constant dense<0.000000e+00> : vector<128xf32>
    %reduce_sum3A_17 = vector.multi_reduction <add>, %add3A_9, %reduce_sum3A [0] : vector<512x128xf32> to vector<128xf32>
    %broadcast_in_dim3A = vector.shape_cast %reduce_sum3A_17 : vector<128xf32> to vector<1x128xf32>
    %add3A_18 = arith.addf %get3A_16, %broadcast_in_dim3A : vector<1x128xf32>
    %swap3A_19 = arith.constant 0 : index
    %swap3A_20 = arith.constant 0 : index
    %swap3A_21 = vector.load %arg5[%swap3A_19, %swap3A_20] : memref<2x128xf32, #tpu.memory_space<vmem>>, vector<1x128xf32>
    tpu.vector_store %arg5[%swap3A_19, %swap3A_20], %add3A_18 {strides = array<i32>} : memref<2x128xf32, #tpu.memory_space<vmem>>, vector<1x128xf32>,
    %get3A_22 = arith.constant 1 : index
    %get3A_23 = arith.constant 0 : index
    %get3A_24 = vector.load %arg5[%get3A_22, %get3A_23] : memref<2x128xf32, #tpu.memory_space<vmem>>, vector<1x128xf32>
    %mul3A = arith.mulf %add3A_9, %add3A_9 : vector<512x128xf32>
    %reduce_sum3A_25 = arith.constant dense<0.000000e+00> : vector<128xf32>
    %reduce_sum3A_26 = vector.multi_reduction <add>, %mul3A, %reduce_sum3A_25 [0] : vector<512x128xf32> to vector<128xf32>
    %broadcast_in_dim3A_27 = vector.shape_cast %reduce_sum3A_26 : vector<128xf32> to vector<1x128xf32>
    %add3A_28 = arith.addf %get3A_24, %broadcast_in_dim3A_27 : vector<1x128xf32>
    %swap3A_29 = arith.constant 1 : index
    %swap3A_30 = arith.constant 0 : index
    %swap3A_31 = vector.load %arg5[%swap3A_29, %swap3A_30] : memref<2x128xf32, #tpu.memory_space<vmem>>, vector<1x128xf32>
    tpu.vector_store %arg5[%swap3A_29, %swap3A_30], %add3A_28 {strides = array<i32>} : memref<2x128xf32, #tpu.memory_space<vmem>>, vector<1x128xf32>,
    return
  }
  func.func @transform_0(%arg0: i32) -> (i32, i32) {
    %c0_i32 = arith.constant 0 : i32
    %c0_i32_0 = arith.constant 0 : i32
    return %arg0, %c0_i32 : i32, i32
  }
  func.func @transform_1(%arg0: i32) -> (i32, i32) {
    %c0_i32 = arith.constant 0 : i32
    %c0_i32_0 = arith.constant 0 : i32
    %c0_i32_1 = arith.constant 0 : i32
    return %c0_i32, %c0_i32_0 : i32, i32
  }
  func.func @transform_2(%arg0: i32) -> (i32, i32) {
    %c0_i32 = arith.constant 0 : i32
    %c0_i32_0 = arith.constant 0 : i32
    %c0_i32_1 = arith.constant 0 : i32
    return %c0_i32, %c0_i32_0 : i32, i32
  }
  func.func @transform_3(%arg0: i32) -> (i32, i32) {
    %c0_i32 = arith.constant 0 : i32
    %c0_i32_0 = arith.constant 0 : i32
    return %arg0, %c0_i32 : i32, i32
  }
  func.func @transform_4(%arg0: i32) -> (i32, i32) {
    %c0_i32 = arith.constant 0 : i32
    %c0_i32_0 = arith.constant 0 : i32
    %c0_i32_1 = arith.constant 0 : i32
    return %c0_i32, %c0_i32_0 : i32, i32
  }
}

module attributes {stable_mosaic.version = 14 : i64} {
  func.func @_mm_fused_kernel(%arg0: i32, %arg1: memref<512x128xf32, #tpu.memory_space<vmem>>, %arg2: memref<2x128xf32, #tpu.memory_space<vmem>>, %arg3: memref<1x128xf32, #tpu.memory_space<vmem>>, %arg4: memref<1x128xf32, #tpu.memory_space<vmem>>, %arg5: memref<128x128xf32, #tpu.memory_space<vmem>>, %arg6: memref<1x128xf32, #tpu.memory_space<vmem>>, %arg7: memref<512x128xf32, #tpu.memory_space<vmem>>, %arg8: memref<2x128xf32, #tpu.memory_space<vmem>>) attributes {dimension_semantics = [#tpu.dimension_semantics<arbitrary>], iteration_bounds = array<i64: 512>, scalar_prefetch = 0 : i64, scratch_operands = 0 : i64, tpu.core_type = #tpu.core_type<tc>, window_params = [{transform_indices = @transform_0, window_bounds = array<i64: 512, 128>}, {pipeline_mode = #tpu.pipeline_mode<synchronous>, transform_indices = @transform_1, window_bounds = array<i64: 2, 128>}, {pipeline_mode = #tpu.pipeline_mode<synchronous>, transform_indices = @transform_2, window_bounds = array<i64: 1, 128>}, {pipeline_mode = #tpu.pipeline_mode<synchronous>, transform_indices = @transform_3, window_bounds = array<i64: 1, 128>}, {pipeline_mode = #tpu.pipeline_mode<synchronous>, transform_indices = @transform_4, window_bounds = array<i64: 128, 128>}, {pipeline_mode = #tpu.pipeline_mode<synchronous>, transform_indices = @transform_5, window_bounds = array<i64: 1, 128>}, {transform_indices = @transform_6, window_bounds = array<i64: 512, 128>}, {pipeline_mode = #tpu.pipeline_mode<synchronous>, transform_indices = @transform_7, window_bounds = array<i64: 2, 128>}]} {
    %get3A = arith.constant 0 : index
    %get3A_0 = arith.constant 0 : index
    %get3A_1 = vector.load %arg2[%get3A, %get3A_0] : memref<2x128xf32, #tpu.memory_space<vmem>>, vector<1x128xf32>
    %div3A = arith.constant 2.621440e+05 : f32
    %div3A_2 = vector.broadcast %div3A : f32 to vector<1x128xf32>
    %div3A_3 = arith.divf %get3A_1, %div3A_2 : vector<1x128xf32>
    %get3A_4 = arith.constant 1 : index
    %get3A_5 = arith.constant 0 : index
    %get3A_6 = vector.load %arg2[%get3A_4, %get3A_5] : memref<2x128xf32, #tpu.memory_space<vmem>>, vector<1x128xf32>
    %div3A_7 = arith.constant 2.621440e+05 : f32
    %div3A_8 = vector.broadcast %div3A_7 : f32 to vector<1x128xf32>
    %div3A_9 = arith.divf %get3A_6, %div3A_8 : vector<1x128xf32>
    %mul3A = arith.mulf %div3A_3, %div3A_3 : vector<1x128xf32>
    %sub3A = arith.subf %div3A_9, %mul3A : vector<1x128xf32>
    %get3A_10 = arith.constant 0 : index
    %get3A_11 = arith.constant 0 : index
    %get3A_12 = vector.load %arg1[%get3A_10, %get3A_11] : memref<512x128xf32, #tpu.memory_space<vmem>>, vector<512x128xf32>
    %sub3A_13 = vector.broadcast %div3A_3 : vector<1x128xf32> to vector<512x128xf32>
    %sub3A_14 = arith.subf %get3A_12, %sub3A_13 : vector<512x128xf32>
    %add3A = arith.constant 9.99999974E-6 : f32
    %add3A_15 = vector.broadcast %add3A : f32 to vector<1x128xf32>
    %add3A_16 = arith.addf %sub3A, %add3A_15 : vector<1x128xf32>
    %rsqrt3A = math.rsqrt %add3A_16 : vector<1x128xf32>
    %mul3A_17 = vector.broadcast %rsqrt3A : vector<1x128xf32> to vector<512x128xf32>
    %mul3A_18 = arith.mulf %sub3A_14, %mul3A_17 : vector<512x128xf32>
    %get3A_19 = arith.constant 0 : index
    %get3A_20 = arith.constant 0 : index
    %get3A_21 = vector.load %arg3[%get3A_19, %get3A_20] : memref<1x128xf32, #tpu.memory_space<vmem>>, vector<1x128xf32>
    %mul3A_22 = vector.broadcast %get3A_21 : vector<1x128xf32> to vector<512x128xf32>
    %mul3A_23 = arith.mulf %mul3A_18, %mul3A_22 : vector<512x128xf32>
    %get3A_24 = arith.constant 0 : index
    %get3A_25 = arith.constant 0 : index
    %get3A_26 = vector.load %arg4[%get3A_24, %get3A_25] : memref<1x128xf32, #tpu.memory_space<vmem>>, vector<1x128xf32>
    %add3A_27 = vector.broadcast %get3A_26 : vector<1x128xf32> to vector<512x128xf32>
    %add3A_28 = arith.addf %mul3A_23, %add3A_27 : vector<512x128xf32>
    %max3A = arith.constant 0.000000e+00 : f32
    %max3A_29 = vector.broadcast %max3A : f32 to vector<512x128xf32>
    %max3A_30 = arith.maximumf %add3A_28, %max3A_29 : vector<512x128xf32>
    %get3A_31 = arith.constant 0 : index
    %get3A_32 = arith.constant 0 : index
    %get3A_33 = vector.load %arg5[%get3A_31, %get3A_32] : memref<128x128xf32, #tpu.memory_space<vmem>>, vector<128x128xf32>
    %dot_general3A = arith.constant dense<0.000000e+00> : vector<512x128xf32>
    %dot_general3A_34 = tpu.matmul %max3A_30, %get3A_33, %dot_general3A {dimension_numbers = #tpu.dot_dimension_numbers<[1], [0], [0], [1], [0, 0, 1, 1], [], []>, transpose_lhs_hint = false} : vector<512x128xf32>, vector<128x128xf32>, vector<512x128xf32> -> vector<512x128xf32>
    %get3A_35 = arith.constant 0 : index
    %get3A_36 = arith.constant 0 : index
    %get3A_37 = vector.load %arg6[%get3A_35, %get3A_36] : memref<1x128xf32, #tpu.memory_space<vmem>>, vector<1x128xf32>
    %add3A_38 = vector.broadcast %get3A_37 : vector<1x128xf32> to vector<512x128xf32>
    %add3A_39 = arith.addf %dot_general3A_34, %add3A_38 : vector<512x128xf32>
    %swap3A = arith.constant 0 : index
    %swap3A_40 = arith.constant 0 : index
    %swap3A_41 = vector.load %arg7[%swap3A, %swap3A_40] : memref<512x128xf32, #tpu.memory_space<vmem>>, vector<512x128xf32>
    tpu.vector_store %arg7[%swap3A, %swap3A_40], %add3A_39 {strides = array<i32>} : memref<512x128xf32, #tpu.memory_space<vmem>>, vector<512x128xf32>,
    %eq3A = arith.constant 0 : i32
    %eq3A_42 = arith.cmpi eq, %arg0, %eq3A : i32
    %convert_element_type3A = arith.extui %eq3A_42 : i1 to i32
    %cond3A = arith.constant 0 : i32
    %cond3A_43 = arith.cmpi ne, %convert_element_type3A, %cond3A : i32
    scf.if %cond3A_43 {
      %broadcast_in_dim3A_63 = arith.constant 0.000000e+00 : f32
      %broadcast_in_dim3A_64 = vector.broadcast %broadcast_in_dim3A_63 : f32 to vector<2x128xf32>
      %swap3A_65 = arith.constant 0 : index
      %swap3A_66 = arith.constant 0 : index
      %swap3A_67 = vector.load %arg8[%swap3A_65, %swap3A_66] : memref<2x128xf32, #tpu.memory_space<vmem>>, vector<2x128xf32>
      tpu.vector_store %arg8[%swap3A_65, %swap3A_66], %broadcast_in_dim3A_64 {strides = array<i32>} : memref<2x128xf32, #tpu.memory_space<vmem>>, vector<2x128xf32>,
    } else {
    }
    %get3A_44 = arith.constant 0 : index
    %get3A_45 = arith.constant 0 : index
    %get3A_46 = vector.load %arg8[%get3A_44, %get3A_45] : memref<2x128xf32, #tpu.memory_space<vmem>>, vector<1x128xf32>
    %reduce_sum3A = arith.constant dense<0.000000e+00> : vector<128xf32>
    %reduce_sum3A_47 = vector.multi_reduction <add>, %add3A_39, %reduce_sum3A [0] : vector<512x128xf32> to vector<128xf32>
    %broadcast_in_dim3A = vector.shape_cast %reduce_sum3A_47 : vector<128xf32> to vector<1x128xf32>
    %add3A_48 = arith.addf %get3A_46, %broadcast_in_dim3A : vector<1x128xf32>
    %swap3A_49 = arith.constant 0 : index
    %swap3A_50 = arith.constant 0 : index
    %swap3A_51 = vector.load %arg8[%swap3A_49, %swap3A_50] : memref<2x128xf32, #tpu.memory_space<vmem>>, vector<1x128xf32>
    tpu.vector_store %arg8[%swap3A_49, %swap3A_50], %add3A_48 {strides = array<i32>} : memref<2x128xf32, #tpu.memory_space<vmem>>, vector<1x128xf32>,
    %get3A_52 = arith.constant 1 : index
    %get3A_53 = arith.constant 0 : index
    %get3A_54 = vector.load %arg8[%get3A_52, %get3A_53] : memref<2x128xf32, #tpu.memory_space<vmem>>, vector<1x128xf32>
    %mul3A_55 = arith.mulf %add3A_39, %add3A_39 : vector<512x128xf32>
    %reduce_sum3A_56 = arith.constant dense<0.000000e+00> : vector<128xf32>
    %reduce_sum3A_57 = vector.multi_reduction <add>, %mul3A_55, %reduce_sum3A_56 [0] : vector<512x128xf32> to vector<128xf32>
    %broadcast_in_dim3A_58 = vector.shape_cast %reduce_sum3A_57 : vector<128xf32> to vector<1x128xf32>
    %add3A_59 = arith.addf %get3A_54, %broadcast_in_dim3A_58 : vector<1x128xf32>
    %swap3A_60 = arith.constant 1 : index
    %swap3A_61 = arith.constant 0 : index
    %swap3A_62 = vector.load %arg8[%swap3A_60, %swap3A_61] : memref<2x128xf32, #tpu.memory_space<vmem>>, vector<1x128xf32>
    tpu.vector_store %arg8[%swap3A_60, %swap3A_61], %add3A_59 {strides = array<i32>} : memref<2x128xf32, #tpu.memory_space<vmem>>, vector<1x128xf32>,
    return
  }
  func.func @transform_0(%arg0: i32) -> (i32, i32) {
    %c0_i32 = arith.constant 0 : i32
    %c0_i32_0 = arith.constant 0 : i32
    return %arg0, %c0_i32 : i32, i32
  }
  func.func @transform_1(%arg0: i32) -> (i32, i32) {
    %c0_i32 = arith.constant 0 : i32
    %c0_i32_0 = arith.constant 0 : i32
    %c0_i32_1 = arith.constant 0 : i32
    return %c0_i32, %c0_i32_0 : i32, i32
  }
  func.func @transform_2(%arg0: i32) -> (i32, i32) {
    %c0_i32 = arith.constant 0 : i32
    %c0_i32_0 = arith.constant 0 : i32
    %c0_i32_1 = arith.constant 0 : i32
    return %c0_i32, %c0_i32_0 : i32, i32
  }
  func.func @transform_3(%arg0: i32) -> (i32, i32) {
    %c0_i32 = arith.constant 0 : i32
    %c0_i32_0 = arith.constant 0 : i32
    %c0_i32_1 = arith.constant 0 : i32
    return %c0_i32, %c0_i32_0 : i32, i32
  }
  func.func @transform_4(%arg0: i32) -> (i32, i32) {
    %c0_i32 = arith.constant 0 : i32
    %c0_i32_0 = arith.constant 0 : i32
    %c0_i32_1 = arith.constant 0 : i32
    return %c0_i32, %c0_i32_0 : i32, i32
  }
  func.func @transform_5(%arg0: i32) -> (i32, i32) {
    %c0_i32 = arith.constant 0 : i32
    %c0_i32_0 = arith.constant 0 : i32
    %c0_i32_1 = arith.constant 0 : i32
    return %c0_i32, %c0_i32_0 : i32, i32
  }
  func.func @transform_6(%arg0: i32) -> (i32, i32) {
    %c0_i32 = arith.constant 0 : i32
    %c0_i32_0 = arith.constant 0 : i32
    return %arg0, %c0_i32 : i32, i32
  }
  func.func @transform_7(%arg0: i32) -> (i32, i32) {
    %c0_i32 = arith.constant 0 : i32
    %c0_i32_0 = arith.constant 0 : i32
    %c0_i32_1 = arith.constant 0 : i32
    return %c0_i32, %c0_i32_0 : i32, i32
  }
}

module attributes {stable_mosaic.version = 14 : i64} {
  func.func @_bn_kernel(%arg0: i32, %arg1: memref<512x128xf32, #tpu.memory_space<vmem>>, %arg2: memref<2x128xf32, #tpu.memory_space<vmem>>, %arg3: memref<1x128xf32, #tpu.memory_space<vmem>>, %arg4: memref<1x128xf32, #tpu.memory_space<vmem>>, %arg5: memref<8x128xf32, #tpu.memory_space<vmem>>) attributes {dimension_semantics = [#tpu.dimension_semantics<arbitrary>], iteration_bounds = array<i64: 512>, scalar_prefetch = 0 : i64, scratch_operands = 0 : i64, tpu.core_type = #tpu.core_type<tc>, window_params = [{transform_indices = @transform_0, window_bounds = array<i64: 512, 128>}, {pipeline_mode = #tpu.pipeline_mode<synchronous>, transform_indices = @transform_1, window_bounds = array<i64: 2, 128>}, {pipeline_mode = #tpu.pipeline_mode<synchronous>, transform_indices = @transform_2, window_bounds = array<i64: 1, 128>}, {pipeline_mode = #tpu.pipeline_mode<synchronous>, transform_indices = @transform_3, window_bounds = array<i64: 1, 128>}, {transform_indices = @transform_4, window_bounds = array<i64: 8, 128>}]} {
    %get3A = arith.constant 0 : index
    %get3A_0 = arith.constant 0 : index
    %get3A_1 = vector.load %arg1[%get3A, %get3A_0] : memref<512x128xf32, #tpu.memory_space<vmem>>, vector<512x128xf32>
    %get3A_2 = arith.constant 0 : index
    %get3A_3 = arith.constant 0 : index
    %get3A_4 = vector.load %arg2[%get3A_2, %get3A_3] : memref<2x128xf32, #tpu.memory_space<vmem>>, vector<1x128xf32>
    %div3A = arith.constant 2.621440e+05 : f32
    %div3A_5 = vector.broadcast %div3A : f32 to vector<1x128xf32>
    %div3A_6 = arith.divf %get3A_4, %div3A_5 : vector<1x128xf32>
    %get3A_7 = arith.constant 1 : index
    %get3A_8 = arith.constant 0 : index
    %get3A_9 = vector.load %arg2[%get3A_7, %get3A_8] : memref<2x128xf32, #tpu.memory_space<vmem>>, vector<1x128xf32>
    %div3A_10 = arith.constant 2.621440e+05 : f32
    %div3A_11 = vector.broadcast %div3A_10 : f32 to vector<1x128xf32>
    %div3A_12 = arith.divf %get3A_9, %div3A_11 : vector<1x128xf32>
    %mul3A = arith.mulf %div3A_6, %div3A_6 : vector<1x128xf32>
    %sub3A = arith.subf %div3A_12, %mul3A : vector<1x128xf32>
    %sub3A_13 = vector.broadcast %div3A_6 : vector<1x128xf32> to vector<512x128xf32>
    %sub3A_14 = arith.subf %get3A_1, %sub3A_13 : vector<512x128xf32>
    %add3A = arith.constant 9.99999974E-6 : f32
    %add3A_15 = vector.broadcast %add3A : f32 to vector<1x128xf32>
    %add3A_16 = arith.addf %sub3A, %add3A_15 : vector<1x128xf32>
    %rsqrt3A = math.rsqrt %add3A_16 : vector<1x128xf32>
    %mul3A_17 = vector.broadcast %rsqrt3A : vector<1x128xf32> to vector<512x128xf32>
    %mul3A_18 = arith.mulf %sub3A_14, %mul3A_17 : vector<512x128xf32>
    %get3A_19 = arith.constant 0 : index
    %get3A_20 = arith.constant 0 : index
    %get3A_21 = vector.load %arg3[%get3A_19, %get3A_20] : memref<1x128xf32, #tpu.memory_space<vmem>>, vector<1x128xf32>
    %mul3A_22 = vector.broadcast %get3A_21 : vector<1x128xf32> to vector<512x128xf32>
    %mul3A_23 = arith.mulf %mul3A_18, %mul3A_22 : vector<512x128xf32>
    %get3A_24 = arith.constant 0 : index
    %get3A_25 = arith.constant 0 : index
    %get3A_26 = vector.load %arg4[%get3A_24, %get3A_25] : memref<1x128xf32, #tpu.memory_space<vmem>>, vector<1x128xf32>
    %add3A_27 = vector.broadcast %get3A_26 : vector<1x128xf32> to vector<512x128xf32>
    %add3A_28 = arith.addf %mul3A_23, %add3A_27 : vector<512x128xf32>
    %max3A = arith.constant 0.000000e+00 : f32
    %max3A_29 = vector.broadcast %max3A : f32 to vector<512x128xf32>
    %max3A_30 = arith.maximumf %add3A_28, %max3A_29 : vector<512x128xf32>
    %reshape3A = vector.shape_cast %max3A_30 : vector<512x128xf32> to vector<8x64x128xf32>
    %reduce_max3A = arith.constant dense<0xFF800000> : vector<8x128xf32>
    %reduce_max3A_31 = vector.multi_reduction <maximumf>, %reshape3A, %reduce_max3A [1] : vector<8x64x128xf32> to vector<8x128xf32>
    %swap3A = arith.constant 0 : index
    %swap3A_32 = arith.constant 0 : index
    %swap3A_33 = vector.load %arg5[%swap3A, %swap3A_32] : memref<8x128xf32, #tpu.memory_space<vmem>>, vector<8x128xf32>
    tpu.vector_store %arg5[%swap3A, %swap3A_32], %reduce_max3A_31 {strides = array<i32>} : memref<8x128xf32, #tpu.memory_space<vmem>>, vector<8x128xf32>,
    return
  }
  func.func @transform_0(%arg0: i32) -> (i32, i32) {
    %c0_i32 = arith.constant 0 : i32
    %c0_i32_0 = arith.constant 0 : i32
    return %arg0, %c0_i32 : i32, i32
  }
  func.func @transform_1(%arg0: i32) -> (i32, i32) {
    %c0_i32 = arith.constant 0 : i32
    %c0_i32_0 = arith.constant 0 : i32
    %c0_i32_1 = arith.constant 0 : i32
    return %c0_i32, %c0_i32_0 : i32, i32
  }
  func.func @transform_2(%arg0: i32) -> (i32, i32) {
    %c0_i32 = arith.constant 0 : i32
    %c0_i32_0 = arith.constant 0 : i32
    %c0_i32_1 = arith.constant 0 : i32
    return %c0_i32, %c0_i32_0 : i32, i32
  }
  func.func @transform_3(%arg0: i32) -> (i32, i32) {
    %c0_i32 = arith.constant 0 : i32
    %c0_i32_0 = arith.constant 0 : i32
    %c0_i32_1 = arith.constant 0 : i32
    return %c0_i32, %c0_i32_0 : i32, i32
  }
  func.func @transform_4(%arg0: i32) -> (i32, i32) {
    %c0_i32 = arith.constant 0 : i32
    %c0_i32_0 = arith.constant 0 : i32
    return %arg0, %c0_i32 : i32, i32
  }
}

</mosaic_0001>

<sc_bundles>
// kernel: gather_offload_async_start
scs
__scs_entry_jumppad:
0x0: {  	(pc) =	sbr.rel $0x88, $3  }
0x1: {  	(tag) =	ssettag $0x0;
	lr =	simm.s32 $0x1  }
0x2: {  	[smem:$0x3F87] =	sst lr;
	_ =	strace $0xD0000000  }
0x3: {  	_ = 	snop  }
0x4: {  	_ = 	snop  }
0x5: {  	_ = 	snop  }
0x6: {  	_ = 	snop  }
0x7: {  	_ = 	snop  }
__scs_overlays_trampoline_lowered:
0x8: {  	[smem:$0x3F96] =	sst s0  }
0x9: {  	[smem:$0x3F97] =	sst s1  }
0xa: {  	[smem:$0x3F98] =	sst s2  }
0xb: {  	[smem:$0x3F99] =	sst s3  }
0xc: {  	[smem:$0x3F9A] =	sst s4  }
0xd: {  	[smem:$0x3F9B] =	sst s5  }
0xe: {  	[smem:$0x3F9C] =	sst s6  }
0xf: {  	[smem:$0x3F9D] =	sst s7  }
0x10: {  	[smem:$0x3F9E] =	sst s8  }
0x11: {  	[smem:$0x3F9F] =	sst s9;
	s0 =	simm.s32 @!p0 $0x0  }
0x12: {  	s1 =	sld [smem:$0x3F85];
	s0 =	simm.s32 @p0 $0x1  }
0x13: {  	[smem:$0x3FA0] =	sst s0;
	s0 =	simm.s32 @!p1 $0x0  }
0x14: {  	s2 =	sld [smem:$0x3F84];
	s0 =	simm.s32 @p1 $0x1  }
0x15: {  	[smem:$0x3FA1] =	sst s0;
	s0 =	simm.s32 @!p2 $0x0  }
0x16: {  	s3 =	sld [smem:$0x3FDB];
	s0 =	simm.s32 @p2 $0x1  }
0x17: {  	s4 =	simm.s32 $0x1BF5;
	[smem:$0x3FA3] =	sst s0  }
0x18: {  	s0 =	sld [smem:$0x3F86];
	_ =	swait.ge [sflag:s4], $0x0  }
0x19: {  	s7 =	sld [smem:$0x3F87]  }
0x1a: {  	s8 =	sadd.s32 $0xFFFFE003, lr  }
0x1b: {  	s9 =	sadd.s32 $0xFFFFFEF7, lr;
	s5 =	simm.s32 $0xFFFFFFFF;
	p2 =	slt.u32 s8, $0xFFFFF086  }
0x1c: {  	p1 =	slt.u32 s9, $0xF7A;
	s5 =	simm.s32 @!p2 $0x0  }
0x1d: {  	s5 =	simm.s32 @p1 $0x1;
	p0 =	seq.s32 s7, s2  }
0x1e: {  	s7 =	smul.u32 @!p0 $0xF7A, s2;
	p2 =	seq.s32 @!p0 s5, $0x0  }
0x1f: {  	s9 =	smul.u32 $0xF7A, s1;
	s8 =	simm.s32 @!p0 $0x1BF5;
	p2 =	por !p2, p0  }
0x20: {  	[sflag:s8] =	ssyncset.s32 @!p0 $0xFFFFF086;
	s6 =	sadd.s32 @!p0 s3, s7;
	s7 =	simm.s32 @!p0 $0x108  }
0x21: {  	s3 =	sadd.s32 s3, s9;
	s6 =	sadd.s32 @!p0 $0x88, s6;
	s7 =	simm.s32 @p2 $0x1082  }
0x22: {  	[simem:s7], [sflag:s8] =	dma.local @!p0 [hbm:s6], $0xF7A  }
0x23: {  	s9 =	sor.u32 $0xD0000000, s2;
	s6 =	simm.s32 $0x108;
	_ =	swait.ge @!p0 [sflag:s8], $0x0  }
0x24: {  	s3 =	sadd.s32 $0x88, s3;
	s6 =	simm.s32 @!p1 $0x1082;
	[sflag:s4] =	ssyncset.s32 $0xFFFFF086  }
0x25: {  	[simem:s6], [sflag:s4] =	dma.local [hbm:s3], $0xF7A  }
0x26: {  	[smem:$0x3F87] =	sst s1;
	(tag) =	ssettag s2;
	_ =	strace s9  }
0x27: {  	s1 =	sld [smem:$0x3F97]  }
0x28: {  	s2 =	sld [smem:$0x3F98]  }
0x29: {  	s4 =	sld [smem:$0x3F9A]  }
0x2a: {  	p0 =	seq.s32 s5, $0x0;
	s5 =	sld [smem:$0x3F9B]  }
0x2b: {  	s6 =	sld [smem:$0x3F9C]  }
0x2c: {  	s7 =	sld [smem:$0x3F9D]  }
0x2d: {  	s3 =	simm.s32 $0x108;
	s8 =	sld [smem:$0x3F9E]  }
0x2e: {  	s3 =	simm.s32 @!p0 $0x1082;
	s9 =	sld [smem:$0x3F9F]  }
0x2f: {  	lr =	sadd.s32 s0, s3;
	s0 =	sld [smem:$0x3F96]  }
0x30: {  	s3 =	sld [smem:$0x3F99]  }
0x31: {  	[smem:$0x3FA2] =	sst s10  }
0x32: {  	s10 =	sld [smem:$0x3FA0];
	_ =	sdelay $0x3  }
0x33: {  	p0 =	seq.s32 s10, $0x1;
	s10 =	sld [smem:$0x3FA2];
	_ =	sdelay $0x3  }
0x34: {  	[smem:$0x3FA2] =	sst s10  }
0x35: {  	s10 =	sld [smem:$0x3FA1];
	_ =	sdelay $0x3  }
0x36: {  	p1 =	seq.s32 s10, $0x1;
	s10 =	sld [smem:$0x3FA2];
	_ =	sdelay $0x3  }
0x37: {  	[smem:$0x3FA2] =	sst s10  }
0x38: {  	s10 =	sld [smem:$0x3FA3]  }
0x39: {  	_ = 	snop;
	(pc) =	sbr.ind lr, $3  }
0x3a: {  	_ = 	snop  }
0x3b: {  	_ = 	snop  }
0x3c: {  	p2 =	seq.s32 s10, $0x1;
	s10 =	sld [smem:$0x3FA2]  }
0x3d: {  	_ =	shalt  }
0x3e: {  	_ =	shalt  }
0x3f: {  	_ =	shalt  }
0x40: {  	_ =	shalt  }
0x41: {  	_ =	shalt  }
0x42: {  	_ =	shalt  }
0x43: {  	_ =	shalt  }
0x44: {  	_ =	shalt  }
0x45: {  	_ =	shalt  }
0x46: {  	_ =	shalt  }
0x47: {  	_ =	shalt  }
0x48: {  	_ =	shalt  }
0x49: {  	_ =	shalt  }
0x4a: {  	_ =	shalt  }
0x4b: {  	_ =	shalt  }
0x4c: {  	_ =	shalt  }
0x4d: {  	_ =	shalt  }
0x4e: {  	_ =	shalt  }
0x4f: {  	_ =	shalt  }
0x50: {  	_ =	shalt  }
0x51: {  	_ =	shalt  }
0x52: {  	_ =	shalt  }
0x53: {  	_ =	shalt  }
0x54: {  	_ =	shalt  }
0x55: {  	_ =	shalt  }
0x56: {  	_ =	shalt  }
0x57: {  	_ =	shalt  }
0x58: {  	_ =	shalt  }
0x59: {  	_ =	shalt  }
0x5a: {  	_ =	shalt  }
0x5b: {  	_ =	shalt  }
0x5c: {  	_ =	shalt  }
0x5d: {  	_ =	shalt  }
0x5e: {  	_ =	shalt  }
0x5f: {  	_ =	shalt  }
0x60: {  	_ =	shalt  }
0x61: {  	_ =	shalt  }
0x62: {  	_ =	shalt  }
0x63: {  	_ =	shalt  }
0x64: {  	_ =	shalt  }
0x65: {  	_ =	shalt  }
0x66: {  	_ =	shalt  }
0x67: {  	_ =	shalt  }
0x68: {  	_ =	shalt  }
0x69: {  	_ =	shalt  }
0x6a: {  	_ =	shalt  }
0x6b: {  	_ =	shalt  }
0x6c: {  	_ =	shalt  }
0x6d: {  	_ =	shalt  }
0x6e: {  	_ =	shalt  }
0x6f: {  	_ =	shalt  }
0x70: {  	_ =	shalt  }
0x71: {  	_ =	shalt  }
0x72: {  	_ =	shalt  }
0x73: {  	_ =	shalt  }
0x74: {  	_ =	shalt  }
0x75: {  	_ =	shalt  }
0x76: {  	_ =	shalt  }
0x77: {  	_ =	shalt  }
0x78: {  	_ =	shalt  }
0x79: {  	_ =	shalt  }
0x7a: {  	_ =	shalt  }
0x7b: {  	_ =	shalt  }
0x7c: {  	_ =	shalt  }
0x7d: {  	_ =	shalt  }
0x7e: {  	_ =	shalt  }
0x7f: {  	_ =	shalt  }
0x80: {  	_ =	shalt  }
0x81: {  	_ =	shalt  }
0x82: {  	_ =	shalt  }
0x83: {  	_ =	shalt  }
0x84: {  	_ =	shalt  }
0x85: {  	_ =	shalt  }
0x86: {  	_ =	shalt  }
0x87: {  	_ =	shalt  }
.Lfunc_end0:
.L_simem_size_0:
called_computation_lowered:
.L_overlay_start_0:
0x88: {  	s2 =	sld [smem:$0x3FD9]  }
0x89: {  	s3 =	sld [smem:$0x3FFE];
	_ =	sdelay $0x1  }
0x8a: {  	s1 =	srdreg.scid  }
0x8b: {  	s0 =	sand.u32 $0x1, s1  }
0x8c: {  	s14 =	sshll.u32 s0, $0xA;
	s2 =	sadd.s32 s3, s2  }
0x8d: {  	s2 =	sadd.s32 s2, s14  }
0x8e: {  	[smem:$0x3FAE] =	sst s2  }
0x8f: {  	_ = 	snop  }
0x90: {  	s2 =	sld [smem:$0x3FD0];
	_ =	sdelay $0x2  }
0x91: {  	s15 =	simm.s32 $0xA;
	s4 =	simm.s32 $0x10  }
0x92: {  	[smem:s4], [sflag:s15] =	dma.local [hbm:s2], $0x1  }
0x93: {  	_ =	swait.eq [sflag:s15], $0x1  }
0x94: {  	[sflag:s15] =	ssyncset.done $0x0  }
0x95: {  	[sflag:s15] =	ssyncadd.s32 $0xFFFFFFFF  }
0x96: {  	s16 =	sld [smem:$0x10];
	(tm) =	ssettm $0x1  }
0x97: {  	s17 =	sld [smem:$0x3FFB];
	_ =	sdelay $0x3  }
0x98: {  	_ =	strace s17  }
0x99: {  	s3 =	sld [smem:$0x3FFC];
	_ =	sdelay $0x3  }
0x9a: {  	_ =	strace s3  }
0x9b: {  	s3 =	sld [smem:$0x3FFD];
	_ =	sdelay $0x3  }
0x9c: {  	_ =	strace s3  }
0x9d: {  	_ =	strace $0x8FFFFFFF  }
0x9e: {  	s18 =	sld [smem:$0x3FDB];
	_ =	sdelay $0x1  }
0x9f: {  	s19 =	simm.s32 $_scs_section_size  }
0xa0: {  	s5 =	simm.s32 $_size__tile_overlayer_lowered;
	s6 =	simm.s32 $_tile_overlayer_lowered  }
0xa1: {  	s22 =	simm.s32 $0x1BFF;
	s21 =	sshll.u32 s6, $0x1;
	s3 =	sadd.s32 s19, s18  }
0xa2: {  	s7 =	simm.s32 $0x0;
	s20 =	sshll.u32 s5, $0x1;
	s5 =	sadd.s32 s21, s3  }
0xa3: {  	[timem:s7], [sflag:s22] =	dma.local [hbm:s5], s20  }
0xa4: {  	_ =	swait.ge [sflag:s22], s20  }
0xa5: {  	s4 =	ssub.s32 $0x0, s20;
	[sflag:s22] =	ssyncset.done $0x0  }
0xa6: {  	[sflag:s22] =	ssyncadd.s32 s4;
	_ =	sdelay $0x1  }
0xa7: {  	s23 =	simm.s32 $0x1B8B  }
0xa8: {  	_ =	swait.ge [sflag:s23], $0x1  }
0xa9: {  	[sflag:s23] =	ssyncset.done $0x0  }
0xaa: {  	s25 =	simm.s32 $0x1B8E;
	s24 =	sld [smem:$0x3FFE];
	[sflag:s23] =	ssyncadd.s32 $0xFFFFFFFF  }
0xab: {  	s26 =	simm.s32 $execute0_lowered;
	[smem:$0x3FD2] =	sst s25  }
0xac: {  	s5 =	sshll.u32 s26, $0x1;
	_ =	strace $0x80000046;
	[dreg:$0x1] =	wrdreg $0xFFFFFFFF  }
0xad: {  	s28 =	simm.s32 $_size_execute0_lowered;
	s3 =	sadd.s32 s3, s5;
	[dreg:$0x0] =	wrdreg $0x0  }
0xae: {  	s5 =	sshll.u32 s28, $0x1;
	[dreg:$0x2] =	wrdreg s3  }
0xaf: {  	[dreg:$0x3] =	wrdreg s5  }
0xb0: {  	[dreg:$0x4] =	wrdreg $0xC0  }
0xb1: {  	_ =	task [dreg:s7], $0x5FFFF  }
0xb2: {  	[dreg:$0x1] =	wrdreg $0xFFFFFFFF  }
0xb3: {  	[dreg:$0x0] =	wrdreg $0x60  }
0xb4: {  	[dreg:$0x2] =	wrdreg s24  }
0xb5: {  	[dreg:$0x3] =	wrdreg s16  }
0xb6: {  	[dreg:$0x4] =	wrdreg $0x9  }
0xb7: {  	_ =	task.clear_ibuf [dreg:s7], $0x5FFFF;
	_ =	strace $0x90000046  }
0xb8: {  	s29 =	simm.s32 $0x9;
	_ =	strace $0x80000048  }
0xb9: {  	_ =	swait.ge [sflag:s29], $0x1  }
0xba: {  	[sflag:s29] =	ssyncadd.s32 $0xFFFFFFFF  }
0xbb: {  	_ =	strace $0x90000048  }
0xbc: {  	_ =	sfence  }
0xbd: {  	s30 =	sld [smem:$0x0];
	_ =	sdelay $0x2  }
0xbe: {  	s31 =	sshll.u32 s1, $0xD;
	s1 =	sshrl.u32 s1, $0x2  }
0xbf: {  	s3 =	sand.u32 $0x4000, s31;
	s1 =	sadd.s32 s1, s30  }
0xc0: {  	s0 =	sor.u32 s3, s0;
	s1 =	sshll.u32 s1, $0x11  }
0xc1: {  	s0 =	sor.u32 s1, s0  }
0xc2: {  	s0 =	sadd.s32 $0x8F2B, s0  }
0xc3: {  	[sflag:s0] =	ssyncadd.remote.s32 $0x1  }
0xc4: {  	_ =	sfence.sel $0xFFFF  }
0xc5: {  	[dreg:$0x0] =	wrdreg $0xFFFFFFFF;
	(pc) =	sbr.abs _section_cstart, $3  }
0xc6: {  	[dreg:$0x1] =	wrdreg $0xFFFFFFFF  }
0xc7: {  	_ =	task.clear_ibuf [dreg:s7], $0x2FFFF;
	_ =	strace $0x9FFFFFFF  }
0xc8: {  	(tm) =	ssettm $0x7FFFFFFF  }
0xc9: {  	_ =	shalt  }
tec
execute0_lowered:
.L_overlay_start_1:
0x0: {  	(tag) =	ssettag $0x1  }
0x1: {  	s7 =	rddreg [dreg:$0x0]  }
0x2: {  	s2 =	rddreg [dreg:$0x1]  }
0x3: {  	s0 =	rddreg [dreg:$0x2]  }
0x4: {  	s1 =	srdreg.scid;
	_ =	strace $0x80000047;
	s4 =	simm.s32 $0x1  }
0x5: {  	s9 =	simm.s32 $0x3;
	s12 =	simm.s32 $0x0;
	s5 =	sshll.u32 s1, $0x4  }
.Ltmp0:
0x6: {  	s1 =	stileid.u32;
	s5 =	sand.u32 $0x10, s5;
	(pc) =	sbr.rel .LBB2_1-.Ltmp0, $4  }
0x7: {  	s10 =	simm.s32 $0x0;
	s3 =	sadd.s32 $0xB600, s7;
	s6 =	sor.u32 s1, s5  }
0x8: {  	[sflag:s4] =	ssyncpa.u1 $0x0;
	s5 =	simm.s32 $0x2;
	s6 =	sshll.u32 s6, $0x7  }
0x9: {  	s7 =	sadd.s32 $0x8B600, s7;
	[sflag:s5] =	ssyncpa.u1 $0x0;
	s8 =	sadd.s32 $0x80, s6  }
0xa: {  	vm0 =	vmmov $0xff;
	vm1 =	vcmask $0x3F20;
	[sflag:s9] =	ssyncpa.u1 $0x0;
	s9 =	simm.s32 $0x80;
	s11 =	smov.u32 s6  }
.LBB2_9:
0xb: {  	p0 =	seq.s32 s10, $0x2  }
.Ltmp1:
0xc: {  	_ = 	snop;
	(pc) =	sbr.rel @p0 .LBB2_11-.Ltmp1, $1  }
0xd: {  	_ =	sdelay $0x3  }
.LBB2_10:
0xe: {  	s12 =	sadd.s32 $0x80, s11  }
0xf: {  	s13 =	smov.u32 s6;
	p0 =	slt.s32 s12, s8  }
0x10: {  	s13 =	smov.u32 @p0 s12  }
0x11: {  	s10 =	sadd.s32 $0x1, s10;
	s12 =	smov.u32 s11;
	s11 =	smov.u32 s13  }
.LBB2_1:
0x12: {  	p0 =	sne.s32 s10, $0x0  }
.Ltmp2:
0x13: {  	_ = 	snop;
	(pc) =	sbr.rel @!p0 .LBB2_2-.Ltmp2, $1  }
0x14: {  	_ =	sdelay $0x3  }
0x15: {  	s13 =	sand.u32 $0x1, s10  }
0x16: {  	p0 =	seq.s32 s13, $0x0  }
.Ltmp3:
0x17: {  	_ = 	snop;
	(pc) =	sbr.rel @p0 .LBB2_9-.Ltmp3, $1  }
0x18: {  	_ =	sdelay $0x3  }
0x19: {  	_ =	swait.ge [sflag:s5], $0x80  }
0x1a: {  	[sflag:s5] =	ssyncset.done $0x0  }
0x1b: {  	s13 =	simm.s32 $0x0;
	[sflag:s5] =	ssyncadd.s32 $0xFFFFFF80  }
0x1c: {  	v0 =	vld.msk [tilespmem:s13+$0x80 ss:$0x1], $0xffff;
	_ =	sdelay $0x4  }
0x1d: {  	v1 =	vshll.u32 v0, $0x4  }
0x1e: {  	vm2 =	veq.s32 v0, $0x80000000;
	v0 =	vshll.u32 v0, $0x13;
	v1 =	vand.u32 $0x7FF80, v1  }
0x1f: {  	v0 =	vand.u32 $0x380000, v0;
	v1 =	vsel vm2, $0xFFFFFF80, v1  }
0x20: {  	v0 =	vsel vm2, $0xFFF80000, v0;
	v2 =	vand.u32 $0xFFFFFC00, v1  }
0x21: {  	v1 =	vand.u32 $0x380, v1;
	v0 =	vadd.s32 v0, v2  }
0x22: {  	v0 =	vor.u32 v1, v0  }
0x23: {  	v0 =	vshrl.u32 v0, $0x3;
	_ =	sdelay $0x3  }
0x24: {  	s13 =	simm.s32 $0x4100  }
0x25: {  	[tilespmem:s13], [sflag:$0x1] =	stream.indirect_vreg.gather [hbm:s3], $0x80, v0, vm0, $0x38;
	[tilespmem:$0x8100] =	vst v63  }
0x26: {  	s14 =	simm.s32 $0x4500;
	s31 =	simm.s32 $0x10  }
0x27: {  	[tilespmem:s14], [sflag:$0x1] =	stream.indirect_vreg.gather [hbm:s3], $0x80, v0, vm1, $0x38;
	[tilespmem:$0x8100] =	vst v63  }
0x28: {  	s14 =	simm.s32 $0x80;
	v0 =	vld.msk [tilespmem:s31+$0x80 ss:$0x1], $0xffff  }
.LBB2_5:
0x29: {  	p0 =	sne.s32 s14, $0x1C0;
	_ =	sdelay $0x4  }
0x2a: {  	v1 =	vshll.u32 v0, $0x4  }
0x2b: {  	vm2 =	veq.s32 v0, $0x80000000;
	v0 =	vshll.u32 v0, $0x13;
	v1 =	vand.u32 $0x7FF80, v1  }
0x2c: {  	v0 =	vand.u32 $0x380000, v0;
	v1 =	vsel vm2, $0xFFFFFF80, v1  }
0x2d: {  	v0 =	vsel vm2, $0xFFF80000, v0;
	v2 =	vand.u32 $0xFFFFFC00, v1  }
0x2e: {  	v1 =	vand.u32 $0x380, v1;
	v0 =	vadd.s32 v0, v2  }
0x2f: {  	v0 =	vor.u32 v1, v0  }
0x30: {  	v0 =	vshrl.u32 v0, $0x3;
	_ =	sdelay $0x3  }
.Ltmp4:
0x31: {  	s13 =	sadd.s32 $0x800, s13;
	(pc) =	sbr.rel @p0 .LBB2_5-.Ltmp4, $4  }
0x32: {  	[tilespmem:s13], [sflag:$0x1] =	stream.indirect_vreg.gather [hbm:s3], $0x80, v0, vm0, $0x38;
	[tilespmem:$0x8100] =	vst v63  }
0x33: {  	s15 =	sshra.s32 s14, $0x2;
	s16 =	sadd.s32 $0x400, s13  }
0x34: {  	[tilespmem:s16], [sflag:$0x1] =	stream.indirect_vreg.gather [hbm:s3], $0x80, v0, vm1, $0x38;
	[tilespmem:$0x8100] =	vst v63  }
0x35: {  	s14 =	sadd.s32 $0x40, s14;
	v0 =	vld.msk [tilespmem:s15+$0x80 ss:$0x1], $0xffff  }
0x36: {  	_ =	sdelay $0x3  }
0x37: {  	v1 =	vshll.u32 v0, $0x4  }
0x38: {  	vm2 =	veq.s32 v0, $0x80000000;
	v63 =	vshll.u32 v0, $0x13;
	v1 =	vand.u32 $0x7FF80, v1  }
0x39: {  	v0 =	vand.u32 $0x380000, v63;
	v1 =	vsel vm2, $0xFFFFFF80, v1  }
0x3a: {  	v0 =	vsel vm2, $0xFFF80000, v0;
	v2 =	vand.u32 $0xFFFFFC00, v1  }
0x3b: {  	v1 =	vand.u32 $0x380, v1;
	v0 =	vadd.s32 v0, v2  }
0x3c: {  	v0 =	vor.u32 v1, v0  }
0x3d: {  	v0 =	vshrl.u32 v0, $0x3;
	_ =	sdelay $0x3  }
0x3e: {  	s13 =	sadd.s32 $0x800, s13  }
0x3f: {  	[tilespmem:s13], [sflag:$0x1] =	stream.indirect_vreg.gather [hbm:s3], $0x80, v0, vm0, $0x38;
	[tilespmem:$0x8100] =	vst v63  }
0x40: {  	s13 =	sadd.s32 $0x400, s13  }
0x41: {  	[tilespmem:s13], [sflag:$0x1] =	stream.indirect_vreg.gather [hbm:s3], $0x80, v0, vm1, $0x38;
	[tilespmem:$0x8100] =	vst v63  }
0x42: {  	s12 =	sshll.u32 s12, $0x4;
	s14 =	simm.s32 $0x80;
	_ =	swait.ge [sflag:s4], $0x4000  }
0x43: {  	s15 =	simm.s32 $0x4500;
	s12 =	sadd.s32 s12, s7;
	[sflag:s4] =	ssyncset.done $0x0  }
0x44: {  	s16 =	sadd.s32 $0x0, s12;
	s13 =	simm.s32 $0x4100;
	[sflag:s4] =	ssyncadd.s32 $0xFFFFC000  }
.LBB2_7:
0x45: {  	[hbm:s16] =	stream.linear.scatter [tilespmem:s13], [sflag:$0x3], $0x400, $0x38;
	[tilespmem:$0x8100] =	vst v63  }
0x46: {  	s16 =	smov.u32 s14;
	s13 =	smov.u32 s15;
	p0 =	sne.s32 s14, $0x780  }
.Ltmp5:
0x47: {  	s14 =	sadd.s32 $0x80, s14;
	(pc) =	sbr.rel @p0 .LBB2_7-.Ltmp5, $2  }
0x48: {  	_ =	sdelay $0x2  }
0x49: {  	s15 =	sadd.s32 $0x400, s15;
	s16 =	sadd.s32 s16, s12  }
.Ltmp6:
0x4a: {  	(pc) =	sbr.rel .LBB2_9-.Ltmp6, $2  }
0x4b: {  	_ =	sdelay $0x2  }
0x4c: {  	[hbm:s16] =	stream.linear.scatter [tilespmem:s13], [sflag:$0x3], $0x400, $0x38;
	[tilespmem:$0x8100] =	vst v63  }
.LBB2_2:
.Ltmp7:
0x4d: {  	(pc) =	sbr.rel .LBB2_10-.Ltmp7, $4  }
0x4e: {  	_ = 	snop  }
0x4f: {  	s12 =	sshrl.u32 s11, $0x3  }
0x50: {  	s13 =	sand.u32 $0x7, s11;
	s12 =	sadd.s32 s2, s12  }
0x51: {  	[tilespmem:s9], [sflag:$0x2] =	stream.linear.gather [hbm4b:s12+s13], $0x80, $0x38;
	[tilespmem:$0x8100] =	vst v63  }
.LBB2_11:
0x52: {  	s2 =	simm.s32 $0x3  }
0x53: {  	_ =	swait.ge [sflag:s2], $0x4000  }
0x54: {  	[sflag:s2] =	ssyncset.done $0x0  }
0x55: {  	[sflag:s2] =	ssyncadd.s32 $0xFFFFC000  }
0x56: {  	_ =	sfence.sel $0x180000  }
0x57: {  	s3 =	simm.s32 $0x2;
	[bflag:$0x0] =	sbarrier.arrive $0xFFFF  }
0x58: {  	[sflag:s3] =	ssyncpa.u1 $0x1  }
0x59: {  	s31 =	simm.s32 $0x1;
	[sflag:s2] =	ssyncpa.u1 $0x1  }
0x5a: {  	[sflag:s31] =	ssyncpa.u1 $0x1  }
0x5b: {  	p0 =	sne.s32 s1, $0x0;
	_ =	strace $0x90000047  }
0x5c: {  	s0 =	sadd.s32 @!p0 $0x100000, s0;
	[bflag:$0x2] =	sbarrier.arrive $0xFFFF  }
0x5d: {  	[sflag:s0] =	ssyncadd.tile.s32 @!p0 $0x1;
	_ =	shalt  }
.Lfunc_end2:
_tile_overlayer_lowered:
.L_overlay_start_2:
0x5e: {  	(tag) =	ssettag $0x2  }
0x5f: {  	s0 =	rddreg [dreg:$0x0];
	s2 =	stileid.u32  }
0x60: {  	s1 =	rddreg [dreg:$0x1];
	p0 =	sne.s32 s2, $0x0  }
0x61: {  	s3 =	rddreg [dreg:$0x2];
	[bflag:$0x3] =	sbarrier.arrive $0xFFFF;
	s2 =	simm.s32 @!p0 $0x1C01  }
0x62: {  	[timem:s3], [sflag:s2] =	dma.local @!p0 [hbm:s0], s1  }
0x63: {  	s0 =	simm.s32 @!p0 $0x1  }
0x64: {  	_ =	swait.ge @!p0 [sflag:s0], s1  }
0x65: {  	s1 =	ssub.s32 @!p0 $0x0, s1;
	[sflag:s0] =	ssyncset.done @!p0 $0x0  }
0x66: {  	[sflag:s0] =	ssyncadd.s32 @!p0 s1  }
0x67: {  	[bflag:$0x3] =	sbarrier.arrive $0xFFFF  }
0x68: {  	_ =	shalt  }

</sc_bundles>
